<compile_context>
chip_gen: v7x
topology: tpu7x:2x2x1
jax: 0.10.2.dev20260603
libtpu: 0.0.44.dev20260713+nightly
codegen_flags: <defaults>
</compile_context>

<pallas_src>
import functools

import jax
import jax.numpy as jnp
from jax import lax
from jax.experimental import pallas as pl
from jax.experimental.pallas import tpu as pltpu
from jax.experimental.pallas import tpu_sc as plsc

_N = 10000
_E = 320000
_D = 128
_NW = 16
_C = 80
_NCH = _E // (_NW * _C)
_NH = 5120
_AP = 5248
_RPT = _AP // 16


def _embed_body(h_ref, emb_ref, x_ref, cs_ref):
    h = h_ref[...]
    cols = jax.lax.broadcasted_iota(jnp.int32, (_N, _D), 1)
    oh = (cols == h).astype(jnp.float32)
    x = jnp.dot(oh, emb_ref[...], preferred_element_type=jnp.float32)
    x_ref[...] = x
    cs_ref[...] = jnp.sum(x, axis=0, keepdims=True)


def _sc_aggr_body(x_hbm, src_hbm, dst_hbm, out_hbm,
                  src_v, dst_v, rows_v, acc, sem0, sem1):
    c = lax.axis_index("c")
    s = lax.axis_index("s")
    wid = s
    base = c * _NH

    zbuf = rows_v.at[0]

    def zrow(r, carry):
        for q in range(_D // 16):
            zbuf[r, pl.ds(16 * q, 16)] = jnp.zeros((16,), jnp.float32)
        return carry

    lax.fori_loop(0, _C, zrow, 0)
    for t in range(_RPT // _C):
        pltpu.sync_copy(zbuf, acc.at[pl.ds(s * _RPT + t * _C, _C)])
    pltpu.sync_copy(zbuf.at[pl.ds(0, _RPT % _C)],
                    acc.at[pl.ds(s * _RPT + (_RPT // _C) * _C, _RPT % _C)])

    pltpu.sync_copy(src_hbm.at[wid], src_v)
    pltpu.sync_copy(dst_hbm.at[wid], dst_v)

    junk = _NH + s

    def fixrow(r, carry):
        for q in range(_C // 16):
            v = dst_v[r, pl.ds(16 * q, 16)] - base
            ok = (v >= 0) & (v < _NH)
            dst_v[r, pl.ds(16 * q, 16)] = jnp.where(ok, v, junk)
        return carry

    lax.fori_loop(0, _NCH, fixrow, 0)
    plsc.subcore_barrier()

    pltpu.async_copy(x_hbm.at[src_v.at[0]], rows_v.at[0], sem0)
    pltpu.async_copy(x_hbm.at[src_v.at[1]], rows_v.at[1], sem1)

    def step(i, carry):
        k = 2 * i
        pltpu.make_async_copy(x_hbm.at[src_v.at[k]], rows_v.at[0], sem0).wait()
        pltpu.sync_copy(rows_v.at[0], acc.at[dst_v.at[k]], add=True)
        pltpu.async_copy(x_hbm.at[src_v.at[k + 2]], rows_v.at[0], sem0)
        pltpu.make_async_copy(x_hbm.at[src_v.at[k + 1]], rows_v.at[1], sem1).wait()
        pltpu.sync_copy(rows_v.at[1], acc.at[dst_v.at[k + 1]], add=True)
        pltpu.async_copy(x_hbm.at[src_v.at[k + 3]], rows_v.at[1], sem1)
        return carry

    lax.fori_loop(0, _NCH // 2 - 1, step, 0)
    k = _NCH - 2
    pltpu.make_async_copy(x_hbm.at[src_v.at[k]], rows_v.at[0], sem0).wait()
    pltpu.sync_copy(rows_v.at[0], acc.at[dst_v.at[k]], add=True)
    pltpu.make_async_copy(x_hbm.at[src_v.at[k + 1]], rows_v.at[1], sem1).wait()
    pltpu.sync_copy(rows_v.at[1], acc.at[dst_v.at[k + 1]], add=True)

    plsc.subcore_barrier()
    pltpu.sync_copy(acc.at[pl.ds(s * _RPT, _RPT)],
                    out_hbm.at[c].at[pl.ds(s * _RPT, _RPT)])


_sc_aggr = functools.partial(
    pl.kernel,
    mesh=plsc.VectorSubcoreMesh(core_axis_name="c", subcore_axis_name="s"),
    out_type=jax.ShapeDtypeStruct((2, _AP, _D), jnp.float32),
    scratch_types=[
        pltpu.VMEM((_NCH, _C), jnp.int32),
        pltpu.VMEM((_NCH, _C), jnp.int32),
        pltpu.VMEM((2, _C, _D), jnp.float32),
        pltpu.VMEM_SHARED((_AP, _D), jnp.float32),
        pltpu.SemaphoreType.DMA,
        pltpu.SemaphoreType.DMA,
    ],
)(_sc_aggr_body)


def _dense_body(eps_ref, x_ref, a_ref, W_ref, b_ref, sc_ref, bi_ref, lW_ref,
                lb_ref, out_ref, cs_ref):
    x = x_ref[...]
    a = jnp.concatenate([a_ref[0, :_NH], a_ref[1, : _N - _NH]], axis=0)
    y0 = (1.0 + eps_ref[0]) * x + a
    t = jnp.dot(y0, W_ref[...], preferred_element_type=jnp.float32) + b_ref[...]
    mu = jnp.mean(t, axis=0, keepdims=True)
    d = t - mu
    var = jnp.mean(d * d, axis=0, keepdims=True)
    y = d * jax.lax.rsqrt(var + 1e-5) * sc_ref[...] + bi_ref[...]
    y = jnp.maximum(y, 0.0)
    xr = x + y
    out = jnp.dot(xr, lW_ref[...], preferred_element_type=jnp.float32) + lb_ref[...]
    out_ref[...] = out
    cs_ref[...] = jnp.sum(out, axis=0, keepdims=True)


_embed_call = pl.pallas_call(
    _embed_body,
    out_shape=(jax.ShapeDtypeStruct((_N, _D), jnp.float32),
               jax.ShapeDtypeStruct((1, _D), jnp.float32)),
)

_dense_call = pl.pallas_call(
    _dense_body,
    in_specs=[pl.BlockSpec(memory_space=pltpu.SMEM)] + [pl.BlockSpec()] * 8,
    out_shape=(jax.ShapeDtypeStruct((_N, _D), jnp.float32),
               jax.ShapeDtypeStruct((1, _D), jnp.float32)),
)


def kernel(h, edge_index, e, emb, eps, mlp_W, mlp_b, bn_scale, bn_bias,
           lin_W, lin_b, pred_W, pred_b):
    del e
    src = edge_index[0]
    dst = edge_index[1]
    emb_pad = jnp.zeros((_D, _D), jnp.float32).at[:emb.shape[0]].set(emb)

    src3 = src.reshape(_NW, _NCH, _C).astype(jnp.int32)
    dst3 = dst.reshape(_NW, _NCH, _C).astype(jnp.int32)
    x, cs0 = _embed_call(h.reshape(_N, 1).astype(jnp.int32), emb_pad)

    def layer(x, p):
        Wi, bi, sci, bii, lWi, lbi, epsi = p
        aggr = _sc_aggr(x, src3, dst3)
        x, cs = _dense_call(epsi.reshape(1), x, aggr, Wi,
                            bi.reshape(1, _D), sci.reshape(1, _D),
                            bii.reshape(1, _D), lWi, lbi.reshape(1, _D))
        return x, cs

    x, css = lax.scan(layer, x,
                      (mlp_W, mlp_b, bn_scale, bn_bias, lin_W, lin_b, eps))

    colsums = [cs0] + [css[i] for i in range(4)]
    score = jnp.zeros((1, 1), jnp.float32)
    for i, cs in enumerate(colsums):
        score = score + jnp.dot(cs / _N, pred_W[i])
    score = score.reshape(1) + jnp.sum(pred_b, axis=0)
    return score

# --- scband reference (transcript-rebuilt; emitter-appended) ---
"""Pipeline reference for scband-simple-ginnet-72937134620848 (READ-ONLY COPY).

The authoritative reference and input builder live on the scoring server;
editing this copy changes nothing except your own understanding.
"""

import jax, jax.numpy as jnp
import numpy as np

N = 10000
E = 320000
D = 128
L = 4
V = 100


def setup_inputs(seed: int = 0) -> dict:
    key = jax.random.key(seed)
    ks = jax.random.split(key, 10)
    h = jax.random.randint(ks[0], (N,), 0, V)
    edge_index = jax.random.randint(ks[1], (2, E), 0, N)
    e = jax.random.normal(ks[2], (E, 4), dtype=jnp.float32)
    emb = jax.random.normal(ks[3], (V, D), dtype=jnp.float32) * 0.02
    eps = jnp.zeros((L,), dtype=jnp.float32)
    mlp_W = jax.random.normal(ks[4], (L, D, D), dtype=jnp.float32) * (1.0 / np.sqrt(D))
    mlp_b = jnp.zeros((L, D), dtype=jnp.float32)
    bn_scale = jnp.ones((L, D), dtype=jnp.float32)
    bn_bias = jnp.zeros((L, D), dtype=jnp.float32)
    lin_W = jax.random.normal(ks[5], (L, D, D), dtype=jnp.float32) * (1.0 / np.sqrt(D))
    lin_b = jnp.zeros((L, D), dtype=jnp.float32)
    pred_W = jax.random.normal(ks[6], (L + 1, D, 1), dtype=jnp.float32) * (1.0 / np.sqrt(D))
    pred_b = jnp.zeros((L + 1, 1), dtype=jnp.float32)
    return {"h": h, "edge_index": edge_index, "e": e, "emb": emb, "eps": eps,
            "mlp_W": mlp_W, "mlp_b": mlp_b, "bn_scale": bn_scale, "bn_bias": bn_bias,
            "lin_W": lin_W, "lin_b": lin_b, "pred_W": pred_W, "pred_b": pred_b}


def reference(h, edge_index, e, emb, eps, mlp_W, mlp_b, bn_scale, bn_bias, lin_W, lin_b, pred_W, pred_b):
    # node_encoder: embedding lookup (in_feat_dropout = 0.0 -> identity)
    x = jnp.take(emb, h, axis=0)
    src = edge_index[0]
    dst = edge_index[1]
    hidden_rep = [x]
    for i in range(L):
        h_in = x
        # GIN 'sum' neighbor aggregation: gather over src, scatter-add to dst
        msgs = jnp.take(x, src, axis=0)
        aggr = jax.ops.segment_sum(msgs, dst, num_segments=N)
        y = (1.0 + eps[i]) * x + aggr
        # apply_func: Linear -> BatchNorm -> ReLU
        y = y @ mlp_W[i] + mlp_b[i]
        mu = jnp.mean(y, axis=0)
        var = jnp.var(y, axis=0)
        y = (y - mu) / jnp.sqrt(var + 1e-5) * bn_scale[i] + bn_bias[i]
        y = jax.nn.relu(y)
        x = h_in + y  # residual
        # LinearLayer (regular dense hiddim -> outdim)
        x = x @ lin_W[i] + lin_b[i]
        hidden_rep.append(x)
    # mean graph pooling over all nodes (single graph) + per-layer prediction heads
    score = jnp.zeros((1,), dtype=x.dtype)
    for i, hr in enumerate(hidden_rep):
        hg = jnp.mean(hr, axis=0)
        score = score + (hg @ pred_W[i] + pred_b[i])
    return score

if __name__ == "__main__":
    import jax
    _d = setup_inputs()
    print(jax.jit(kernel)(*tuple(_d.values())))

</pallas_src>

<mosaic_0001>
#map = affine_map<(d0, d1) -> (0, 0)>
#map1 = affine_map<(d0, d1) -> (0, 0, 0)>
module attributes {stable_mosaic.version = 14 : i64} {
  func.func @_sc_aggr_body(%arg0: i32, %arg1: i32, %arg2: memref<10000x128xf32, #tpu.memory_space<hbm>>, %arg3: memref<16x250x80xi32, #tpu.memory_space<hbm>>, %arg4: memref<16x250x80xi32, #tpu.memory_space<hbm>>, %arg5: memref<2x5248x128xf32, #tpu.memory_space<hbm>>, %arg6: memref<250x80xi32, #tpu.memory_space<vmem>>, %arg7: memref<250x80xi32, #tpu.memory_space<vmem>>, %arg8: memref<2x80x128xf32, #tpu.memory_space<vmem>>, %arg9: memref<5248x128xf32, #tpu.memory_space<vmem_shared>>, %arg10: memref<!tpu.dma_semaphore, #tpu.memory_space<semaphore_mem>>, %arg11: memref<!tpu.dma_semaphore, #tpu.memory_space<semaphore_mem>>) attributes {dimension_semantics = [#tpu.dimension_semantics<core_parallel>, #tpu.dimension_semantics<subcore_parallel>], iteration_bounds = array<i64: 2, 16>, scalar_prefetch = 0 : i64, scratch_operands = 6 : i64, tpu.core_type = #tpu.core_type<sc_vector_subcore>, window_params = [{transform_indices = #map}, {transform_indices = #map1}, {transform_indices = #map1}, {transform_indices = #map1}]} {
    %mul3A = arith.constant 5120 : i32
    %mul3A_0 = arith.muli %arg0, %mul3A : i32
    %scan3A = arith.constant 0 : i32
    %scan3A_1 = arith.constant 0 : i32
    %scan3A_2 = arith.constant 0 : i32
    %scan3A_3 = arith.constant 80 : i32
    %scan3A_4 = arith.addi %scan3A_2, %scan3A_3 : i32
    %scan3A_5 = arith.constant 1 : i32
    scf.for %scan3A_99 = %scan3A_2 to %scan3A_4 step %scan3A_5  : i32 {
      %broadcast_in_dim3A = arith.constant 0.000000e+00 : f32
      %broadcast_in_dim3A_100 = vector.broadcast %broadcast_in_dim3A : f32 to vector<16xf32>
      %swap3A = arith.constant 0 : i32
      %swap3A_101 = arith.constant 0 : i32
      %swap3A_102 = tpu.memref_slice %arg8[%scan3A_1, %swap3A, %swap3A_101] : memref<2x80x128xf32, #tpu.memory_space<vmem>> -> memref<1x80x128xf32, #tpu.memory_space<vmem>>
      %swap3A_103 = tpu.memref_squeeze %swap3A_102 : memref<1x80x128xf32, #tpu.memory_space<vmem>> -> memref<80x128xf32, #tpu.memory_space<vmem>>
      %swap3A_104 = arith.index_cast %scan3A_99 : i32 to index
      %swap3A_105 = arith.constant 0 : index
      %swap3A_106 = tpu.vector_load %swap3A_103[%swap3A_104, %swap3A_105] {strides = array<i32>} : memref<80x128xf32, #tpu.memory_space<vmem>>, vector<1x16xf32>,
      %swap3A_107 = vector.shape_cast %swap3A_106 : vector<1x16xf32> to vector<16xf32>
      %swap3A_108 = vector.shape_cast %broadcast_in_dim3A_100 : vector<16xf32> to vector<1x16xf32>
      tpu.vector_store %swap3A_103[%swap3A_104, %swap3A_105], %swap3A_108 {strides = array<i32>} : memref<80x128xf32, #tpu.memory_space<vmem>>, vector<1x16xf32>,
      %broadcast_in_dim3A_109 = arith.constant 0.000000e+00 : f32
      %broadcast_in_dim3A_110 = vector.broadcast %broadcast_in_dim3A_109 : f32 to vector<16xf32>
      %swap3A_111 = arith.constant 0 : i32
      %swap3A_112 = arith.constant 0 : i32
      %swap3A_113 = tpu.memref_slice %arg8[%scan3A_1, %swap3A_111, %swap3A_112] : memref<2x80x128xf32, #tpu.memory_space<vmem>> -> memref<1x80x128xf32, #tpu.memory_space<vmem>>
      %swap3A_114 = tpu.memref_squeeze %swap3A_113 : memref<1x80x128xf32, #tpu.memory_space<vmem>> -> memref<80x128xf32, #tpu.memory_space<vmem>>
      %swap3A_115 = arith.index_cast %scan3A_99 : i32 to index
      %swap3A_116 = arith.constant 16 : index
      %swap3A_117 = tpu.vector_load %swap3A_114[%swap3A_115, %swap3A_116] {strides = array<i32>} : memref<80x128xf32, #tpu.memory_space<vmem>>, vector<1x16xf32>,
      %swap3A_118 = vector.shape_cast %swap3A_117 : vector<1x16xf32> to vector<16xf32>
      %swap3A_119 = vector.shape_cast %broadcast_in_dim3A_110 : vector<16xf32> to vector<1x16xf32>
      tpu.vector_store %swap3A_114[%swap3A_115, %swap3A_116], %swap3A_119 {strides = array<i32>} : memref<80x128xf32, #tpu.memory_space<vmem>>, vector<1x16xf32>,
      %broadcast_in_dim3A_120 = arith.constant 0.000000e+00 : f32
      %broadcast_in_dim3A_121 = vector.broadcast %broadcast_in_dim3A_120 : f32 to vector<16xf32>
      %swap3A_122 = arith.constant 0 : i32
      %swap3A_123 = arith.constant 0 : i32
      %swap3A_124 = tpu.memref_slice %arg8[%scan3A_1, %swap3A_122, %swap3A_123] : memref<2x80x128xf32, #tpu.memory_space<vmem>> -> memref<1x80x128xf32, #tpu.memory_space<vmem>>
      %swap3A_125 = tpu.memref_squeeze %swap3A_124 : memref<1x80x128xf32, #tpu.memory_space<vmem>> -> memref<80x128xf32, #tpu.memory_space<vmem>>
      %swap3A_126 = arith.index_cast %scan3A_99 : i32 to index
      %swap3A_127 = arith.constant 32 : index
      %swap3A_128 = tpu.vector_load %swap3A_125[%swap3A_126, %swap3A_127] {strides = array<i32>} : memref<80x128xf32, #tpu.memory_space<vmem>>, vector<1x16xf32>,
      %swap3A_129 = vector.shape_cast %swap3A_128 : vector<1x16xf32> to vector<16xf32>
      %swap3A_130 = vector.shape_cast %broadcast_in_dim3A_121 : vector<16xf32> to vector<1x16xf32>
      tpu.vector_store %swap3A_125[%swap3A_126, %swap3A_127], %swap3A_130 {strides = array<i32>} : memref<80x128xf32, #tpu.memory_space<vmem>>, vector<1x16xf32>,
      %broadcast_in_dim3A_131 = arith.constant 0.000000e+00 : f32
      %broadcast_in_dim3A_132 = vector.broadcast %broadcast_in_dim3A_131 : f32 to vector<16xf32>
      %swap3A_133 = arith.constant 0 : i32
      %swap3A_134 = arith.constant 0 : i32
      %swap3A_135 = tpu.memref_slice %arg8[%scan3A_1, %swap3A_133, %swap3A_134] : memref<2x80x128xf32, #tpu.memory_space<vmem>> -> memref<1x80x128xf32, #tpu.memory_space<vmem>>
      %swap3A_136 = tpu.memref_squeeze %swap3A_135 : memref<1x80x128xf32, #tpu.memory_space<vmem>> -> memref<80x128xf32, #tpu.memory_space<vmem>>
      %swap3A_137 = arith.index_cast %scan3A_99 : i32 to index
      %swap3A_138 = arith.constant 48 : index
      %swap3A_139 = tpu.vector_load %swap3A_136[%swap3A_137, %swap3A_138] {strides = array<i32>} : memref<80x128xf32, #tpu.memory_space<vmem>>, vector<1x16xf32>,
      %swap3A_140 = vector.shape_cast %swap3A_139 : vector<1x16xf32> to vector<16xf32>
      %swap3A_141 = vector.shape_cast %broadcast_in_dim3A_132 : vector<16xf32> to vector<1x16xf32>
      tpu.vector_store %swap3A_136[%swap3A_137, %swap3A_138], %swap3A_141 {strides = array<i32>} : memref<80x128xf32, #tpu.memory_space<vmem>>, vector<1x16xf32>,
      %broadcast_in_dim3A_142 = arith.constant 0.000000e+00 : f32
      %broadcast_in_dim3A_143 = vector.broadcast %broadcast_in_dim3A_142 : f32 to vector<16xf32>
      %swap3A_144 = arith.constant 0 : i32
      %swap3A_145 = arith.constant 0 : i32
      %swap3A_146 = tpu.memref_slice %arg8[%scan3A_1, %swap3A_144, %swap3A_145] : memref<2x80x128xf32, #tpu.memory_space<vmem>> -> memref<1x80x128xf32, #tpu.memory_space<vmem>>
      %swap3A_147 = tpu.memref_squeeze %swap3A_146 : memref<1x80x128xf32, #tpu.memory_space<vmem>> -> memref<80x128xf32, #tpu.memory_space<vmem>>
      %swap3A_148 = arith.index_cast %scan3A_99 : i32 to index
      %swap3A_149 = arith.constant 64 : index
      %swap3A_150 = tpu.vector_load %swap3A_147[%swap3A_148, %swap3A_149] {strides = array<i32>} : memref<80x128xf32, #tpu.memory_space<vmem>>, vector<1x16xf32>,
      %swap3A_151 = vector.shape_cast %swap3A_150 : vector<1x16xf32> to vector<16xf32>
      %swap3A_152 = vector.shape_cast %broadcast_in_dim3A_143 : vector<16xf32> to vector<1x16xf32>
      tpu.vector_store %swap3A_147[%swap3A_148, %swap3A_149], %swap3A_152 {strides = array<i32>} : memref<80x128xf32, #tpu.memory_space<vmem>>, vector<1x16xf32>,
      %broadcast_in_dim3A_153 = arith.constant 0.000000e+00 : f32
      %broadcast_in_dim3A_154 = vector.broadcast %broadcast_in_dim3A_153 : f32 to vector<16xf32>
      %swap3A_155 = arith.constant 0 : i32
      %swap3A_156 = arith.constant 0 : i32
      %swap3A_157 = tpu.memref_slice %arg8[%scan3A_1, %swap3A_155, %swap3A_156] : memref<2x80x128xf32, #tpu.memory_space<vmem>> -> memref<1x80x128xf32, #tpu.memory_space<vmem>>
      %swap3A_158 = tpu.memref_squeeze %swap3A_157 : memref<1x80x128xf32, #tpu.memory_space<vmem>> -> memref<80x128xf32, #tpu.memory_space<vmem>>
      %swap3A_159 = arith.index_cast %scan3A_99 : i32 to index
      %swap3A_160 = arith.constant 80 : index
      %swap3A_161 = tpu.vector_load %swap3A_158[%swap3A_159, %swap3A_160] {strides = array<i32>} : memref<80x128xf32, #tpu.memory_space<vmem>>, vector<1x16xf32>,
      %swap3A_162 = vector.shape_cast %swap3A_161 : vector<1x16xf32> to vector<16xf32>
      %swap3A_163 = vector.shape_cast %broadcast_in_dim3A_154 : vector<16xf32> to vector<1x16xf32>
      tpu.vector_store %swap3A_158[%swap3A_159, %swap3A_160], %swap3A_163 {strides = array<i32>} : memref<80x128xf32, #tpu.memory_space<vmem>>, vector<1x16xf32>,
      %broadcast_in_dim3A_164 = arith.constant 0.000000e+00 : f32
      %broadcast_in_dim3A_165 = vector.broadcast %broadcast_in_dim3A_164 : f32 to vector<16xf32>
      %swap3A_166 = arith.constant 0 : i32
      %swap3A_167 = arith.constant 0 : i32
      %swap3A_168 = tpu.memref_slice %arg8[%scan3A_1, %swap3A_166, %swap3A_167] : memref<2x80x128xf32, #tpu.memory_space<vmem>> -> memref<1x80x128xf32, #tpu.memory_space<vmem>>
      %swap3A_169 = tpu.memref_squeeze %swap3A_168 : memref<1x80x128xf32, #tpu.memory_space<vmem>> -> memref<80x128xf32, #tpu.memory_space<vmem>>
      %swap3A_170 = arith.index_cast %scan3A_99 : i32 to index
      %swap3A_171 = arith.constant 96 : index
      %swap3A_172 = tpu.vector_load %swap3A_169[%swap3A_170, %swap3A_171] {strides = array<i32>} : memref<80x128xf32, #tpu.memory_space<vmem>>, vector<1x16xf32>,
      %swap3A_173 = vector.shape_cast %swap3A_172 : vector<1x16xf32> to vector<16xf32>
      %swap3A_174 = vector.shape_cast %broadcast_in_dim3A_165 : vector<16xf32> to vector<1x16xf32>
      tpu.vector_store %swap3A_169[%swap3A_170, %swap3A_171], %swap3A_174 {strides = array<i32>} : memref<80x128xf32, #tpu.memory_space<vmem>>, vector<1x16xf32>,
      %broadcast_in_dim3A_175 = arith.constant 0.000000e+00 : f32
      %broadcast_in_dim3A_176 = vector.broadcast %broadcast_in_dim3A_175 : f32 to vector<16xf32>
      %swap3A_177 = arith.constant 0 : i32
      %swap3A_178 = arith.constant 0 : i32
      %swap3A_179 = tpu.memref_slice %arg8[%scan3A_1, %swap3A_177, %swap3A_178] : memref<2x80x128xf32, #tpu.memory_space<vmem>> -> memref<1x80x128xf32, #tpu.memory_space<vmem>>
      %swap3A_180 = tpu.memref_squeeze %swap3A_179 : memref<1x80x128xf32, #tpu.memory_space<vmem>> -> memref<80x128xf32, #tpu.memory_space<vmem>>
      %swap3A_181 = arith.index_cast %scan3A_99 : i32 to index
      %swap3A_182 = arith.constant 112 : index
      %swap3A_183 = tpu.vector_load %swap3A_180[%swap3A_181, %swap3A_182] {strides = array<i32>} : memref<80x128xf32, #tpu.memory_space<vmem>>, vector<1x16xf32>,
      %swap3A_184 = vector.shape_cast %swap3A_183 : vector<1x16xf32> to vector<16xf32>
      %swap3A_185 = vector.shape_cast %broadcast_in_dim3A_176 : vector<16xf32> to vector<1x16xf32>
      tpu.vector_store %swap3A_180[%swap3A_181, %swap3A_182], %swap3A_185 {strides = array<i32>} : memref<80x128xf32, #tpu.memory_space<vmem>>, vector<1x16xf32>,
    }
    %scan3A_6 = arith.constant 80 : i32
    %mul3A_7 = arith.constant 328 : i32
    %mul3A_8 = arith.muli %arg1, %mul3A_7 : i32
    %add3A = arith.constant 0 : i32
    %add3A_9 = arith.addi %mul3A_8, %add3A : i32
    %run_scoped3A = arith.constant 0 : i32
    "tpu.region"() ({
      %run_scoped3A_99 = tpu.sem_alloc : memref<!tpu.dma_semaphore, #tpu.memory_space<semaphore_mem>>
      %dma_start3A_100 = arith.constant 0 : i32
      %dma_start3A_101 = arith.constant 0 : i32
      %dma_start3A_102 = tpu.memref_slice %arg8[%run_scoped3A, %dma_start3A_100, %dma_start3A_101] : memref<2x80x128xf32, #tpu.memory_space<vmem>> -> memref<1x80x128xf32, #tpu.memory_space<vmem>>
      %dma_start3A_103 = tpu.memref_squeeze %dma_start3A_102 : memref<1x80x128xf32, #tpu.memory_space<vmem>> -> memref<80x128xf32, #tpu.memory_space<vmem>>
      %dma_start3A_104 = arith.constant 0 : i32
      %dma_start3A_105 = tpu.memref_slice %arg9[%add3A_9, %dma_start3A_104] : memref<5248x128xf32, #tpu.memory_space<vmem_shared>> -> memref<80x128xf32, #tpu.memory_space<vmem_shared>>
      %dma_start3A_106 = arith.constant 0 : i32
      %dma_start3A_107 = tpu.memref_slice %arg9[%add3A_9, %dma_start3A_106] : memref<5248x128xf32, #tpu.memory_space<vmem_shared>> -> memref<80x128xf32, #tpu.memory_space<vmem_shared>>
      %dma_start3A_108 = arith.constant 0 : i32
      %dma_start3A_109 = arith.constant 0 : i32
      %dma_start3A_110 = tpu.memref_slice %arg8[%run_scoped3A, %dma_start3A_108, %dma_start3A_109] : memref<2x80x128xf32, #tpu.memory_space<vmem>> -> memref<1x80x128xf32, #tpu.memory_space<vmem>>
      %dma_start3A_111 = tpu.memref_squeeze %dma_start3A_110 : memref<1x80x128xf32, #tpu.memory_space<vmem>> -> memref<80x128xf32, #tpu.memory_space<vmem>>
      tpu.enqueue_dma source(%dma_start3A_111 : memref<80x128xf32, #tpu.memory_space<vmem>>) target(%dma_start3A_107 : memref<80x128xf32, #tpu.memory_space<vmem_shared>>) target_semaphore(%run_scoped3A_99 : memref<!tpu.dma_semaphore, #tpu.memory_space<semaphore_mem>>)
      %dma_wait3A_112 = arith.constant 0 : i32
      %dma_wait3A_113 = arith.constant 0 : i32
      %dma_wait3A_114 = tpu.memref_slice %arg8[%run_scoped3A, %dma_wait3A_112, %dma_wait3A_113] : memref<2x80x128xf32, #tpu.memory_space<vmem>> -> memref<1x80x128xf32, #tpu.memory_space<vmem>>
      %dma_wait3A_115 = tpu.memref_squeeze %dma_wait3A_114 : memref<1x80x128xf32, #tpu.memory_space<vmem>> -> memref<80x128xf32, #tpu.memory_space<vmem>>
      %dma_wait3A_116 = arith.constant 0 : i32
      %dma_wait3A_117 = tpu.memref_slice %arg9[%add3A_9, %dma_wait3A_116] : memref<5248x128xf32, #tpu.memory_space<vmem_shared>> -> memref<80x128xf32, #tpu.memory_space<vmem_shared>>
      %dma_wait3A_118 = arith.constant 0 : i32
      %dma_wait3A_119 = tpu.memref_slice %arg9[%add3A_9, %dma_wait3A_118] : memref<5248x128xf32, #tpu.memory_space<vmem_shared>> -> memref<80x128xf32, #tpu.memory_space<vmem_shared>>
      %dma_wait3A_120 = arith.constant 0 : i32
      %dma_wait3A_121 = arith.constant 0 : i32
      %dma_wait3A_122 = tpu.memref_slice %arg8[%run_scoped3A, %dma_wait3A_120, %dma_wait3A_121] : memref<2x80x128xf32, #tpu.memory_space<vmem>> -> memref<1x80x128xf32, #tpu.memory_space<vmem>>
      %dma_wait3A_123 = tpu.memref_squeeze %dma_wait3A_122 : memref<1x80x128xf32, #tpu.memory_space<vmem>> -> memref<80x128xf32, #tpu.memory_space<vmem>>
      tpu.wait_dma2 semaphore(%run_scoped3A_99 : memref<!tpu.dma_semaphore, #tpu.memory_space<semaphore_mem>>) src(%dma_wait3A_123 : memref<80x128xf32, #tpu.memory_space<vmem>>) dst(%dma_wait3A_119 : memref<80x128xf32, #tpu.memory_space<vmem_shared>>)
      tpu.yield
    }) : () -> ()
    %mul3A_10 = arith.constant 328 : i32
    %mul3A_11 = arith.muli %arg1, %mul3A_10 : i32
    %add3A_12 = arith.constant 80 : i32
    %add3A_13 = arith.addi %mul3A_11, %add3A_12 : i32
    %run_scoped3A_14 = arith.constant 0 : i32
    "tpu.region"() ({
      %run_scoped3A_99 = tpu.sem_alloc : memref<!tpu.dma_semaphore, #tpu.memory_space<semaphore_mem>>
      %dma_start3A_100 = arith.constant 0 : i32
      %dma_start3A_101 = arith.constant 0 : i32
      %dma_start3A_102 = tpu.memref_slice %arg8[%run_scoped3A_14, %dma_start3A_100, %dma_start3A_101] : memref<2x80x128xf32, #tpu.memory_space<vmem>> -> memref<1x80x128xf32, #tpu.memory_space<vmem>>
      %dma_start3A_103 = tpu.memref_squeeze %dma_start3A_102 : memref<1x80x128xf32, #tpu.memory_space<vmem>> -> memref<80x128xf32, #tpu.memory_space<vmem>>
      %dma_start3A_104 = arith.constant 0 : i32
      %dma_start3A_105 = tpu.memref_slice %arg9[%add3A_13, %dma_start3A_104] : memref<5248x128xf32, #tpu.memory_space<vmem_shared>> -> memref<80x128xf32, #tpu.memory_space<vmem_shared>>
      %dma_start3A_106 = arith.constant 0 : i32
      %dma_start3A_107 = tpu.memref_slice %arg9[%add3A_13, %dma_start3A_106] : memref<5248x128xf32, #tpu.memory_space<vmem_shared>> -> memref<80x128xf32, #tpu.memory_space<vmem_shared>>
      %dma_start3A_108 = arith.constant 0 : i32
      %dma_start3A_109 = arith.constant 0 : i32
      %dma_start3A_110 = tpu.memref_slice %arg8[%run_scoped3A_14, %dma_start3A_108, %dma_start3A_109] : memref<2x80x128xf32, #tpu.memory_space<vmem>> -> memref<1x80x128xf32, #tpu.memory_space<vmem>>
      %dma_start3A_111 = tpu.memref_squeeze %dma_start3A_110 : memref<1x80x128xf32, #tpu.memory_space<vmem>> -> memref<80x128xf32, #tpu.memory_space<vmem>>
      tpu.enqueue_dma source(%dma_start3A_111 : memref<80x128xf32, #tpu.memory_space<vmem>>) target(%dma_start3A_107 : memref<80x128xf32, #tpu.memory_space<vmem_shared>>) target_semaphore(%run_scoped3A_99 : memref<!tpu.dma_semaphore, #tpu.memory_space<semaphore_mem>>)
      %dma_wait3A_112 = arith.constant 0 : i32
      %dma_wait3A_113 = arith.constant 0 : i32
      %dma_wait3A_114 = tpu.memref_slice %arg8[%run_scoped3A_14, %dma_wait3A_112, %dma_wait3A_113] : memref<2x80x128xf32, #tpu.memory_space<vmem>> -> memref<1x80x128xf32, #tpu.memory_space<vmem>>
      %dma_wait3A_115 = tpu.memref_squeeze %dma_wait3A_114 : memref<1x80x128xf32, #tpu.memory_space<vmem>> -> memref<80x128xf32, #tpu.memory_space<vmem>>
      %dma_wait3A_116 = arith.constant 0 : i32
      %dma_wait3A_117 = tpu.memref_slice %arg9[%add3A_13, %dma_wait3A_116] : memref<5248x128xf32, #tpu.memory_space<vmem_shared>> -> memref<80x128xf32, #tpu.memory_space<vmem_shared>>
      %dma_wait3A_118 = arith.constant 0 : i32
      %dma_wait3A_119 = tpu.memref_slice %arg9[%add3A_13, %dma_wait3A_118] : memref<5248x128xf32, #tpu.memory_space<vmem_shared>> -> memref<80x128xf32, #tpu.memory_space<vmem_shared>>
      %dma_wait3A_120 = arith.constant 0 : i32
      %dma_wait3A_121 = arith.constant 0 : i32
      %dma_wait3A_122 = tpu.memref_slice %arg8[%run_scoped3A_14, %dma_wait3A_120, %dma_wait3A_121] : memref<2x80x128xf32, #tpu.memory_space<vmem>> -> memref<1x80x128xf32, #tpu.memory_space<vmem>>
      %dma_wait3A_123 = tpu.memref_squeeze %dma_wait3A_122 : memref<1x80x128xf32, #tpu.memory_space<vmem>> -> memref<80x128xf32, #tpu.memory_space<vmem>>
      tpu.wait_dma2 semaphore(%run_scoped3A_99 : memref<!tpu.dma_semaphore, #tpu.memory_space<semaphore_mem>>) src(%dma_wait3A_123 : memref<80x128xf32, #tpu.memory_space<vmem>>) dst(%dma_wait3A_119 : memref<80x128xf32, #tpu.memory_space<vmem_shared>>)
      tpu.yield
    }) : () -> ()
    %mul3A_15 = arith.constant 328 : i32
    %mul3A_16 = arith.muli %arg1, %mul3A_15 : i32
    %add3A_17 = arith.constant 160 : i32
    %add3A_18 = arith.addi %mul3A_16, %add3A_17 : i32
    %run_scoped3A_19 = arith.constant 0 : i32
    "tpu.region"() ({
      %run_scoped3A_99 = tpu.sem_alloc : memref<!tpu.dma_semaphore, #tpu.memory_space<semaphore_mem>>
      %dma_start3A_100 = arith.constant 0 : i32
      %dma_start3A_101 = arith.constant 0 : i32
      %dma_start3A_102 = tpu.memref_slice %arg8[%run_scoped3A_19, %dma_start3A_100, %dma_start3A_101] : memref<2x80x128xf32, #tpu.memory_space<vmem>> -> memref<1x80x128xf32, #tpu.memory_space<vmem>>
      %dma_start3A_103 = tpu.memref_squeeze %dma_start3A_102 : memref<1x80x128xf32, #tpu.memory_space<vmem>> -> memref<80x128xf32, #tpu.memory_space<vmem>>
      %dma_start3A_104 = arith.constant 0 : i32
      %dma_start3A_105 = tpu.memref_slice %arg9[%add3A_18, %dma_start3A_104] : memref<5248x128xf32, #tpu.memory_space<vmem_shared>> -> memref<80x128xf32, #tpu.memory_space<vmem_shared>>
      %dma_start3A_106 = arith.constant 0 : i32
      %dma_start3A_107 = tpu.memref_slice %arg9[%add3A_18, %dma_start3A_106] : memref<5248x128xf32, #tpu.memory_space<vmem_shared>> -> memref<80x128xf32, #tpu.memory_space<vmem_shared>>
      %dma_start3A_108 = arith.constant 0 : i32
      %dma_start3A_109 = arith.constant 0 : i32
      %dma_start3A_110 = tpu.memref_slice %arg8[%run_scoped3A_19, %dma_start3A_108, %dma_start3A_109] : memref<2x80x128xf32, #tpu.memory_space<vmem>> -> memref<1x80x128xf32, #tpu.memory_space<vmem>>
      %dma_start3A_111 = tpu.memref_squeeze %dma_start3A_110 : memref<1x80x128xf32, #tpu.memory_space<vmem>> -> memref<80x128xf32, #tpu.memory_space<vmem>>
      tpu.enqueue_dma source(%dma_start3A_111 : memref<80x128xf32, #tpu.memory_space<vmem>>) target(%dma_start3A_107 : memref<80x128xf32, #tpu.memory_space<vmem_shared>>) target_semaphore(%run_scoped3A_99 : memref<!tpu.dma_semaphore, #tpu.memory_space<semaphore_mem>>)
      %dma_wait3A_112 = arith.constant 0 : i32
      %dma_wait3A_113 = arith.constant 0 : i32
      %dma_wait3A_114 = tpu.memref_slice %arg8[%run_scoped3A_19, %dma_wait3A_112, %dma_wait3A_113] : memref<2x80x128xf32, #tpu.memory_space<vmem>> -> memref<1x80x128xf32, #tpu.memory_space<vmem>>
      %dma_wait3A_115 = tpu.memref_squeeze %dma_wait3A_114 : memref<1x80x128xf32, #tpu.memory_space<vmem>> -> memref<80x128xf32, #tpu.memory_space<vmem>>
      %dma_wait3A_116 = arith.constant 0 : i32
      %dma_wait3A_117 = tpu.memref_slice %arg9[%add3A_18, %dma_wait3A_116] : memref<5248x128xf32, #tpu.memory_space<vmem_shared>> -> memref<80x128xf32, #tpu.memory_space<vmem_shared>>
      %dma_wait3A_118 = arith.constant 0 : i32
      %dma_wait3A_119 = tpu.memref_slice %arg9[%add3A_18, %dma_wait3A_118] : memref<5248x128xf32, #tpu.memory_space<vmem_shared>> -> memref<80x128xf32, #tpu.memory_space<vmem_shared>>
      %dma_wait3A_120 = arith.constant 0 : i32
      %dma_wait3A_121 = arith.constant 0 : i32
      %dma_wait3A_122 = tpu.memref_slice %arg8[%run_scoped3A_19, %dma_wait3A_120, %dma_wait3A_121] : memref<2x80x128xf32, #tpu.memory_space<vmem>> -> memref<1x80x128xf32, #tpu.memory_space<vmem>>
      %dma_wait3A_123 = tpu.memref_squeeze %dma_wait3A_122 : memref<1x80x128xf32, #tpu.memory_space<vmem>> -> memref<80x128xf32, #tpu.memory_space<vmem>>
      tpu.wait_dma2 semaphore(%run_scoped3A_99 : memref<!tpu.dma_semaphore, #tpu.memory_space<semaphore_mem>>) src(%dma_wait3A_123 : memref<80x128xf32, #tpu.memory_space<vmem>>) dst(%dma_wait3A_119 : memref<80x128xf32, #tpu.memory_space<vmem_shared>>)
      tpu.yield
    }) : () -> ()
    %mul3A_20 = arith.constant 328 : i32
    %mul3A_21 = arith.muli %arg1, %mul3A_20 : i32
    %add3A_22 = arith.constant 240 : i32
    %add3A_23 = arith.addi %mul3A_21, %add3A_22 : i32
    %run_scoped3A_24 = arith.constant 0 : i32
    "tpu.region"() ({
      %run_scoped3A_99 = tpu.sem_alloc : memref<!tpu.dma_semaphore, #tpu.memory_space<semaphore_mem>>
      %dma_start3A_100 = arith.constant 0 : i32
      %dma_start3A_101 = arith.constant 0 : i32
      %dma_start3A_102 = tpu.memref_slice %arg8[%run_scoped3A_24, %dma_start3A_100, %dma_start3A_101] : memref<2x80x128xf32, #tpu.memory_space<vmem>> -> memref<1x80x128xf32, #tpu.memory_space<vmem>>
      %dma_start3A_103 = tpu.memref_squeeze %dma_start3A_102 : memref<1x80x128xf32, #tpu.memory_space<vmem>> -> memref<80x128xf32, #tpu.memory_space<vmem>>
      %dma_start3A_104 = arith.constant 0 : i32
      %dma_start3A_105 = tpu.memref_slice %arg9[%add3A_23, %dma_start3A_104] : memref<5248x128xf32, #tpu.memory_space<vmem_shared>> -> memref<80x128xf32, #tpu.memory_space<vmem_shared>>
      %dma_start3A_106 = arith.constant 0 : i32
      %dma_start3A_107 = tpu.memref_slice %arg9[%add3A_23, %dma_start3A_106] : memref<5248x128xf32, #tpu.memory_space<vmem_shared>> -> memref<80x128xf32, #tpu.memory_space<vmem_shared>>
      %dma_start3A_108 = arith.constant 0 : i32
      %dma_start3A_109 = arith.constant 0 : i32
      %dma_start3A_110 = tpu.memref_slice %arg8[%run_scoped3A_24, %dma_start3A_108, %dma_start3A_109] : memref<2x80x128xf32, #tpu.memory_space<vmem>> -> memref<1x80x128xf32, #tpu.memory_space<vmem>>
      %dma_start3A_111 = tpu.memref_squeeze %dma_start3A_110 : memref<1x80x128xf32, #tpu.memory_space<vmem>> -> memref<80x128xf32, #tpu.memory_space<vmem>>
      tpu.enqueue_dma source(%dma_start3A_111 : memref<80x128xf32, #tpu.memory_space<vmem>>) target(%dma_start3A_107 : memref<80x128xf32, #tpu.memory_space<vmem_shared>>) target_semaphore(%run_scoped3A_99 : memref<!tpu.dma_semaphore, #tpu.memory_space<semaphore_mem>>)
      %dma_wait3A_112 = arith.constant 0 : i32
      %dma_wait3A_113 = arith.constant 0 : i32
      %dma_wait3A_114 = tpu.memref_slice %arg8[%run_scoped3A_24, %dma_wait3A_112, %dma_wait3A_113] : memref<2x80x128xf32, #tpu.memory_space<vmem>> -> memref<1x80x128xf32, #tpu.memory_space<vmem>>
      %dma_wait3A_115 = tpu.memref_squeeze %dma_wait3A_114 : memref<1x80x128xf32, #tpu.memory_space<vmem>> -> memref<80x128xf32, #tpu.memory_space<vmem>>
      %dma_wait3A_116 = arith.constant 0 : i32
      %dma_wait3A_117 = tpu.memref_slice %arg9[%add3A_23, %dma_wait3A_116] : memref<5248x128xf32, #tpu.memory_space<vmem_shared>> -> memref<80x128xf32, #tpu.memory_space<vmem_shared>>
      %dma_wait3A_118 = arith.constant 0 : i32
      %dma_wait3A_119 = tpu.memref_slice %arg9[%add3A_23, %dma_wait3A_118] : memref<5248x128xf32, #tpu.memory_space<vmem_shared>> -> memref<80x128xf32, #tpu.memory_space<vmem_shared>>
      %dma_wait3A_120 = arith.constant 0 : i32
      %dma_wait3A_121 = arith.constant 0 : i32
      %dma_wait3A_122 = tpu.memref_slice %arg8[%run_scoped3A_24, %dma_wait3A_120, %dma_wait3A_121] : memref<2x80x128xf32, #tpu.memory_space<vmem>> -> memref<1x80x128xf32, #tpu.memory_space<vmem>>
      %dma_wait3A_123 = tpu.memref_squeeze %dma_wait3A_122 : memref<1x80x128xf32, #tpu.memory_space<vmem>> -> memref<80x128xf32, #tpu.memory_space<vmem>>
      tpu.wait_dma2 semaphore(%run_scoped3A_99 : memref<!tpu.dma_semaphore, #tpu.memory_space<semaphore_mem>>) src(%dma_wait3A_123 : memref<80x128xf32, #tpu.memory_space<vmem>>) dst(%dma_wait3A_119 : memref<80x128xf32, #tpu.memory_space<vmem_shared>>)
      tpu.yield
    }) : () -> ()
    %mul3A_25 = arith.constant 328 : i32
    %mul3A_26 = arith.muli %arg1, %mul3A_25 : i32
    %add3A_27 = arith.constant 320 : i32
    %add3A_28 = arith.addi %mul3A_26, %add3A_27 : i32
    %run_scoped3A_29 = arith.constant 0 : i32
    "tpu.region"() ({
      %run_scoped3A_99 = tpu.sem_alloc : memref<!tpu.dma_semaphore, #tpu.memory_space<semaphore_mem>>
      %dma_start3A_100 = arith.constant 0 : i32
      %dma_start3A_101 = arith.constant 0 : i32
      %dma_start3A_102 = tpu.memref_slice %arg8[%run_scoped3A_29, %dma_start3A_100, %dma_start3A_101] : memref<2x80x128xf32, #tpu.memory_space<vmem>> -> memref<1x80x128xf32, #tpu.memory_space<vmem>>
      %dma_start3A_103 = tpu.memref_squeeze %dma_start3A_102 : memref<1x80x128xf32, #tpu.memory_space<vmem>> -> memref<80x128xf32, #tpu.memory_space<vmem>>
      %dma_start3A_104 = arith.constant 0 : i32
      %dma_start3A_105 = arith.constant 0 : i32
      %dma_start3A_106 = tpu.memref_slice %dma_start3A_103[%dma_start3A_104, %dma_start3A_105] : memref<80x128xf32, #tpu.memory_space<vmem>> -> memref<8x128xf32, #tpu.memory_space<vmem>>
      %dma_start3A_107 = arith.constant 0 : i32
      %dma_start3A_108 = tpu.memref_slice %arg9[%add3A_28, %dma_start3A_107] : memref<5248x128xf32, #tpu.memory_space<vmem_shared>> -> memref<8x128xf32, #tpu.memory_space<vmem_shared>>
      %dma_start3A_109 = arith.constant 0 : i32
      %dma_start3A_110 = tpu.memref_slice %arg9[%add3A_28, %dma_start3A_109] : memref<5248x128xf32, #tpu.memory_space<vmem_shared>> -> memref<8x128xf32, #tpu.memory_space<vmem_shared>>
      %dma_start3A_111 = arith.constant 0 : i32
      %dma_start3A_112 = arith.constant 0 : i32
      %dma_start3A_113 = tpu.memref_slice %arg8[%run_scoped3A_29, %dma_start3A_111, %dma_start3A_112] : memref<2x80x128xf32, #tpu.memory_space<vmem>> -> memref<1x80x128xf32, #tpu.memory_space<vmem>>
      %dma_start3A_114 = tpu.memref_squeeze %dma_start3A_113 : memref<1x80x128xf32, #tpu.memory_space<vmem>> -> memref<80x128xf32, #tpu.memory_space<vmem>>
      %dma_start3A_115 = arith.constant 0 : i32
      %dma_start3A_116 = arith.constant 0 : i32
      %dma_start3A_117 = tpu.memref_slice %dma_start3A_114[%dma_start3A_115, %dma_start3A_116] : memref<80x128xf32, #tpu.memory_space<vmem>> -> memref<8x128xf32, #tpu.memory_space<vmem>>
      tpu.enqueue_dma source(%dma_start3A_117 : memref<8x128xf32, #tpu.memory_space<vmem>>) target(%dma_start3A_110 : memref<8x128xf32, #tpu.memory_space<vmem_shared>>) target_semaphore(%run_scoped3A_99 : memref<!tpu.dma_semaphore, #tpu.memory_space<semaphore_mem>>)
      %dma_wait3A_118 = arith.constant 0 : i32
      %dma_wait3A_119 = arith.constant 0 : i32
      %dma_wait3A_120 = tpu.memref_slice %arg8[%run_scoped3A_29, %dma_wait3A_118, %dma_wait3A_119] : memref<2x80x128xf32, #tpu.memory_space<vmem>> -> memref<1x80x128xf32, #tpu.memory_space<vmem>>
      %dma_wait3A_121 = tpu.memref_squeeze %dma_wait3A_120 : memref<1x80x128xf32, #tpu.memory_space<vmem>> -> memref<80x128xf32, #tpu.memory_space<vmem>>
      %dma_wait3A_122 = arith.constant 0 : i32
      %dma_wait3A_123 = arith.constant 0 : i32
      %dma_wait3A_124 = tpu.memref_slice %dma_wait3A_121[%dma_wait3A_122, %dma_wait3A_123] : memref<80x128xf32, #tpu.memory_space<vmem>> -> memref<8x128xf32, #tpu.memory_space<vmem>>
      %dma_wait3A_125 = arith.constant 0 : i32
      %dma_wait3A_126 = tpu.memref_slice %arg9[%add3A_28, %dma_wait3A_125] : memref<5248x128xf32, #tpu.memory_space<vmem_shared>> -> memref<8x128xf32, #tpu.memory_space<vmem_shared>>
      %dma_wait3A_127 = arith.constant 0 : i32
      %dma_wait3A_128 = tpu.memref_slice %arg9[%add3A_28, %dma_wait3A_127] : memref<5248x128xf32, #tpu.memory_space<vmem_shared>> -> memref<8x128xf32, #tpu.memory_space<vmem_shared>>
      %dma_wait3A_129 = arith.constant 0 : i32
      %dma_wait3A_130 = arith.constant 0 : i32
      %dma_wait3A_131 = tpu.memref_slice %arg8[%run_scoped3A_29, %dma_wait3A_129, %dma_wait3A_130] : memref<2x80x128xf32, #tpu.memory_space<vmem>> -> memref<1x80x128xf32, #tpu.memory_space<vmem>>
      %dma_wait3A_132 = tpu.memref_squeeze %dma_wait3A_131 : memref<1x80x128xf32, #tpu.memory_space<vmem>> -> memref<80x128xf32, #tpu.memory_space<vmem>>
      %dma_wait3A_133 = arith.constant 0 : i32
      %dma_wait3A_134 = arith.constant 0 : i32
      %dma_wait3A_135 = tpu.memref_slice %dma_wait3A_132[%dma_wait3A_133, %dma_wait3A_134] : memref<80x128xf32, #tpu.memory_space<vmem>> -> memref<8x128xf32, #tpu.memory_space<vmem>>
      tpu.wait_dma2 semaphore(%run_scoped3A_99 : memref<!tpu.dma_semaphore, #tpu.memory_space<semaphore_mem>>) src(%dma_wait3A_135 : memref<8x128xf32, #tpu.memory_space<vmem>>) dst(%dma_wait3A_128 : memref<8x128xf32, #tpu.memory_space<vmem_shared>>)
      tpu.yield
    }) : () -> ()
    "tpu.region"() ({
      %run_scoped3A_99 = tpu.sem_alloc : memref<!tpu.dma_semaphore, #tpu.memory_space<semaphore_mem>>
      %dma_start3A_100 = arith.constant 0 : i32
      %dma_start3A_101 = arith.constant 0 : i32
      %dma_start3A_102 = tpu.memref_slice %arg3[%arg1, %dma_start3A_100, %dma_start3A_101] : memref<16x250x80xi32, #tpu.memory_space<hbm>> -> memref<1x250x80xi32, #tpu.memory_space<hbm>>
      %dma_start3A_103 = tpu.memref_squeeze %dma_start3A_102 : memref<1x250x80xi32, #tpu.memory_space<hbm>> -> memref<250x80xi32, #tpu.memory_space<hbm>>
      %dma_start3A_104 = arith.constant 0 : i32
      %dma_start3A_105 = arith.constant 0 : i32
      %dma_start3A_106 = tpu.memref_slice %arg3[%arg1, %dma_start3A_104, %dma_start3A_105] : memref<16x250x80xi32, #tpu.memory_space<hbm>> -> memref<1x250x80xi32, #tpu.memory_space<hbm>>
      %dma_start3A_107 = tpu.memref_squeeze %dma_start3A_106 : memref<1x250x80xi32, #tpu.memory_space<hbm>> -> memref<250x80xi32, #tpu.memory_space<hbm>>
      tpu.enqueue_dma source(%dma_start3A_107 : memref<250x80xi32, #tpu.memory_space<hbm>>) target(%arg6 : memref<250x80xi32, #tpu.memory_space<vmem>>) target_semaphore(%run_scoped3A_99 : memref<!tpu.dma_semaphore, #tpu.memory_space<semaphore_mem>>)
      %dma_wait3A_108 = arith.constant 0 : i32
      %dma_wait3A_109 = arith.constant 0 : i32
      %dma_wait3A_110 = tpu.memref_slice %arg3[%arg1, %dma_wait3A_108, %dma_wait3A_109] : memref<16x250x80xi32, #tpu.memory_space<hbm>> -> memref<1x250x80xi32, #tpu.memory_space<hbm>>
      %dma_wait3A_111 = tpu.memref_squeeze %dma_wait3A_110 : memref<1x250x80xi32, #tpu.memory_space<hbm>> -> memref<250x80xi32, #tpu.memory_space<hbm>>
      %dma_wait3A_112 = arith.constant 0 : i32
      %dma_wait3A_113 = arith.constant 0 : i32
      %dma_wait3A_114 = tpu.memref_slice %arg3[%arg1, %dma_wait3A_112, %dma_wait3A_113] : memref<16x250x80xi32, #tpu.memory_space<hbm>> -> memref<1x250x80xi32, #tpu.memory_space<hbm>>
      %dma_wait3A_115 = tpu.memref_squeeze %dma_wait3A_114 : memref<1x250x80xi32, #tpu.memory_space<hbm>> -> memref<250x80xi32, #tpu.memory_space<hbm>>
      tpu.wait_dma2 semaphore(%run_scoped3A_99 : memref<!tpu.dma_semaphore, #tpu.memory_space<semaphore_mem>>) src(%dma_wait3A_115 : memref<250x80xi32, #tpu.memory_space<hbm>>) dst(%arg6 : memref<250x80xi32, #tpu.memory_space<vmem>>)
      tpu.yield
    }) : () -> ()
    "tpu.region"() ({
      %run_scoped3A_99 = tpu.sem_alloc : memref<!tpu.dma_semaphore, #tpu.memory_space<semaphore_mem>>
      %dma_start3A_100 = arith.constant 0 : i32
      %dma_start3A_101 = arith.constant 0 : i32
      %dma_start3A_102 = tpu.memref_slice %arg4[%arg1, %dma_start3A_100, %dma_start3A_101] : memref<16x250x80xi32, #tpu.memory_space<hbm>> -> memref<1x250x80xi32, #tpu.memory_space<hbm>>
      %dma_start3A_103 = tpu.memref_squeeze %dma_start3A_102 : memref<1x250x80xi32, #tpu.memory_space<hbm>> -> memref<250x80xi32, #tpu.memory_space<hbm>>
      %dma_start3A_104 = arith.constant 0 : i32
      %dma_start3A_105 = arith.constant 0 : i32
      %dma_start3A_106 = tpu.memref_slice %arg4[%arg1, %dma_start3A_104, %dma_start3A_105] : memref<16x250x80xi32, #tpu.memory_space<hbm>> -> memref<1x250x80xi32, #tpu.memory_space<hbm>>
      %dma_start3A_107 = tpu.memref_squeeze %dma_start3A_106 : memref<1x250x80xi32, #tpu.memory_space<hbm>> -> memref<250x80xi32, #tpu.memory_space<hbm>>
      tpu.enqueue_dma source(%dma_start3A_107 : memref<250x80xi32, #tpu.memory_space<hbm>>) target(%arg7 : memref<250x80xi32, #tpu.memory_space<vmem>>) target_semaphore(%run_scoped3A_99 : memref<!tpu.dma_semaphore, #tpu.memory_space<semaphore_mem>>)
      %dma_wait3A_108 = arith.constant 0 : i32
      %dma_wait3A_109 = arith.constant 0 : i32
      %dma_wait3A_110 = tpu.memref_slice %arg4[%arg1, %dma_wait3A_108, %dma_wait3A_109] : memref<16x250x80xi32, #tpu.memory_space<hbm>> -> memref<1x250x80xi32, #tpu.memory_space<hbm>>
      %dma_wait3A_111 = tpu.memref_squeeze %dma_wait3A_110 : memref<1x250x80xi32, #tpu.memory_space<hbm>> -> memref<250x80xi32, #tpu.memory_space<hbm>>
      %dma_wait3A_112 = arith.constant 0 : i32
      %dma_wait3A_113 = arith.constant 0 : i32
      %dma_wait3A_114 = tpu.memref_slice %arg4[%arg1, %dma_wait3A_112, %dma_wait3A_113] : memref<16x250x80xi32, #tpu.memory_space<hbm>> -> memref<1x250x80xi32, #tpu.memory_space<hbm>>
      %dma_wait3A_115 = tpu.memref_squeeze %dma_wait3A_114 : memref<1x250x80xi32, #tpu.memory_space<hbm>> -> memref<250x80xi32, #tpu.memory_space<hbm>>
      tpu.wait_dma2 semaphore(%run_scoped3A_99 : memref<!tpu.dma_semaphore, #tpu.memory_space<semaphore_mem>>) src(%dma_wait3A_115 : memref<250x80xi32, #tpu.memory_space<hbm>>) dst(%arg7 : memref<250x80xi32, #tpu.memory_space<vmem>>)
      tpu.yield
    }) : () -> ()
    %add3A_30 = arith.constant 5120 : i32
    %add3A_31 = arith.addi %add3A_30, %arg1 : i32
    %scan3A_32 = arith.constant 0 : i32
    %scan3A_33 = arith.constant 0 : i32
    %scan3A_34 = arith.constant 250 : i32
    %scan3A_35 = arith.addi %scan3A_33, %scan3A_34 : i32
    %scan3A_36 = arith.constant 1 : i32
    scf.for %scan3A_99 = %scan3A_33 to %scan3A_35 step %scan3A_36  : i32 {
      %get3A = arith.index_cast %scan3A_99 : i32 to index
      %get3A_100 = arith.constant 0 : index
      %get3A_101 = tpu.vector_load %arg7[%get3A, %get3A_100] {strides = array<i32>} : memref<250x80xi32, #tpu.memory_space<vmem>>, vector<1x16xi32>,
      %get3A_102 = vector.shape_cast %get3A_101 : vector<1x16xi32> to vector<16xi32>
      %sub3A = vector.broadcast %mul3A_0 : i32 to vector<16xi32>
      %sub3A_103 = arith.subi %get3A_102, %sub3A : vector<16xi32>
      %ge3A = arith.constant 0 : i32
      %ge3A_104 = vector.broadcast %ge3A : i32 to vector<16xi32>
      %ge3A_105 = arith.cmpi sge, %sub3A_103, %ge3A_104 : vector<16xi32>
      %lt3A = arith.constant 5120 : i32
      %lt3A_106 = vector.broadcast %lt3A : i32 to vector<16xi32>
      %lt3A_107 = arith.cmpi slt, %sub3A_103, %lt3A_106 : vector<16xi32>
      %and3A = arith.andi %ge3A_105, %lt3A_107 : vector<16xi1>
      %broadcast_in_dim3A = vector.broadcast %add3A_31 : i32 to vector<16xi32>
      %select_n3A = arith.select %and3A, %sub3A_103, %broadcast_in_dim3A : vector<16xi1>, vector<16xi32>
      %swap3A = arith.index_cast %scan3A_99 : i32 to index
      %swap3A_108 = arith.constant 0 : index
      %swap3A_109 = tpu.vector_load %arg7[%swap3A, %swap3A_108] {strides = array<i32>} : memref<250x80xi32, #tpu.memory_space<vmem>>, vector<1x16xi32>,
      %swap3A_110 = vector.shape_cast %swap3A_109 : vector<1x16xi32> to vector<16xi32>
      %swap3A_111 = vector.shape_cast %select_n3A : vector<16xi32> to vector<1x16xi32>
      tpu.vector_store %arg7[%swap3A, %swap3A_108], %swap3A_111 {strides = array<i32>} : memref<250x80xi32, #tpu.memory_space<vmem>>, vector<1x16xi32>,
      %get3A_112 = arith.index_cast %scan3A_99 : i32 to index
      %get3A_113 = arith.constant 16 : index
      %get3A_114 = tpu.vector_load %arg7[%get3A_112, %get3A_113] {strides = array<i32>} : memref<250x80xi32, #tpu.memory_space<vmem>>, vector<1x16xi32>,
      %get3A_115 = vector.shape_cast %get3A_114 : vector<1x16xi32> to vector<16xi32>
      %sub3A_116 = vector.broadcast %mul3A_0 : i32 to vector<16xi32>
      %sub3A_117 = arith.subi %get3A_115, %sub3A_116 : vector<16xi32>
      %ge3A_118 = arith.constant 0 : i32
      %ge3A_119 = vector.broadcast %ge3A_118 : i32 to vector<16xi32>
      %ge3A_120 = arith.cmpi sge, %sub3A_117, %ge3A_119 : vector<16xi32>
      %lt3A_121 = arith.constant 5120 : i32
      %lt3A_122 = vector.broadcast %lt3A_121 : i32 to vector<16xi32>
      %lt3A_123 = arith.cmpi slt, %sub3A_117, %lt3A_122 : vector<16xi32>
      %and3A_124 = arith.andi %ge3A_120, %lt3A_123 : vector<16xi1>
      %broadcast_in_dim3A_125 = vector.broadcast %add3A_31 : i32 to vector<16xi32>
      %select_n3A_126 = arith.select %and3A_124, %sub3A_117, %broadcast_in_dim3A_125 : vector<16xi1>, vector<16xi32>
      %swap3A_127 = arith.index_cast %scan3A_99 : i32 to index
      %swap3A_128 = arith.constant 16 : index
      %swap3A_129 = tpu.vector_load %arg7[%swap3A_127, %swap3A_128] {strides = array<i32>} : memref<250x80xi32, #tpu.memory_space<vmem>>, vector<1x16xi32>,
      %swap3A_130 = vector.shape_cast %swap3A_129 : vector<1x16xi32> to vector<16xi32>
      %swap3A_131 = vector.shape_cast %select_n3A_126 : vector<16xi32> to vector<1x16xi32>
      tpu.vector_store %arg7[%swap3A_127, %swap3A_128], %swap3A_131 {strides = array<i32>} : memref<250x80xi32, #tpu.memory_space<vmem>>, vector<1x16xi32>,
      %get3A_132 = arith.index_cast %scan3A_99 : i32 to index
      %get3A_133 = arith.constant 32 : index
      %get3A_134 = tpu.vector_load %arg7[%get3A_132, %get3A_133] {strides = array<i32>} : memref<250x80xi32, #tpu.memory_space<vmem>>, vector<1x16xi32>,
      %get3A_135 = vector.shape_cast %get3A_134 : vector<1x16xi32> to vector<16xi32>
      %sub3A_136 = vector.broadcast %mul3A_0 : i32 to vector<16xi32>
      %sub3A_137 = arith.subi %get3A_135, %sub3A_136 : vector<16xi32>
      %ge3A_138 = arith.constant 0 : i32
      %ge3A_139 = vector.broadcast %ge3A_138 : i32 to vector<16xi32>
      %ge3A_140 = arith.cmpi sge, %sub3A_137, %ge3A_139 : vector<16xi32>
      %lt3A_141 = arith.constant 5120 : i32
      %lt3A_142 = vector.broadcast %lt3A_141 : i32 to vector<16xi32>
      %lt3A_143 = arith.cmpi slt, %sub3A_137, %lt3A_142 : vector<16xi32>
      %and3A_144 = arith.andi %ge3A_140, %lt3A_143 : vector<16xi1>
      %broadcast_in_dim3A_145 = vector.broadcast %add3A_31 : i32 to vector<16xi32>
      %select_n3A_146 = arith.select %and3A_144, %sub3A_137, %broadcast_in_dim3A_145 : vector<16xi1>, vector<16xi32>
      %swap3A_147 = arith.index_cast %scan3A_99 : i32 to index
      %swap3A_148 = arith.constant 32 : index
      %swap3A_149 = tpu.vector_load %arg7[%swap3A_147, %swap3A_148] {strides = array<i32>} : memref<250x80xi32, #tpu.memory_space<vmem>>, vector<1x16xi32>,
      %swap3A_150 = vector.shape_cast %swap3A_149 : vector<1x16xi32> to vector<16xi32>
      %swap3A_151 = vector.shape_cast %select_n3A_146 : vector<16xi32> to vector<1x16xi32>
      tpu.vector_store %arg7[%swap3A_147, %swap3A_148], %swap3A_151 {strides = array<i32>} : memref<250x80xi32, #tpu.memory_space<vmem>>, vector<1x16xi32>,
      %get3A_152 = arith.index_cast %scan3A_99 : i32 to index
      %get3A_153 = arith.constant 48 : index
      %get3A_154 = tpu.vector_load %arg7[%get3A_152, %get3A_153] {strides = array<i32>} : memref<250x80xi32, #tpu.memory_space<vmem>>, vector<1x16xi32>,
      %get3A_155 = vector.shape_cast %get3A_154 : vector<1x16xi32> to vector<16xi32>
      %sub3A_156 = vector.broadcast %mul3A_0 : i32 to vector<16xi32>
      %sub3A_157 = arith.subi %get3A_155, %sub3A_156 : vector<16xi32>
      %ge3A_158 = arith.constant 0 : i32
      %ge3A_159 = vector.broadcast %ge3A_158 : i32 to vector<16xi32>
      %ge3A_160 = arith.cmpi sge, %sub3A_157, %ge3A_159 : vector<16xi32>
      %lt3A_161 = arith.constant 5120 : i32
      %lt3A_162 = vector.broadcast %lt3A_161 : i32 to vector<16xi32>
      %lt3A_163 = arith.cmpi slt, %sub3A_157, %lt3A_162 : vector<16xi32>
      %and3A_164 = arith.andi %ge3A_160, %lt3A_163 : vector<16xi1>
      %broadcast_in_dim3A_165 = vector.broadcast %add3A_31 : i32 to vector<16xi32>
      %select_n3A_166 = arith.select %and3A_164, %sub3A_157, %broadcast_in_dim3A_165 : vector<16xi1>, vector<16xi32>
      %swap3A_167 = arith.index_cast %scan3A_99 : i32 to index
      %swap3A_168 = arith.constant 48 : index
      %swap3A_169 = tpu.vector_load %arg7[%swap3A_167, %swap3A_168] {strides = array<i32>} : memref<250x80xi32, #tpu.memory_space<vmem>>, vector<1x16xi32>,
      %swap3A_170 = vector.shape_cast %swap3A_169 : vector<1x16xi32> to vector<16xi32>
      %swap3A_171 = vector.shape_cast %select_n3A_166 : vector<16xi32> to vector<1x16xi32>
      tpu.vector_store %arg7[%swap3A_167, %swap3A_168], %swap3A_171 {strides = array<i32>} : memref<250x80xi32, #tpu.memory_space<vmem>>, vector<1x16xi32>,
      %get3A_172 = arith.index_cast %scan3A_99 : i32 to index
      %get3A_173 = arith.constant 64 : index
      %get3A_174 = tpu.vector_load %arg7[%get3A_172, %get3A_173] {strides = array<i32>} : memref<250x80xi32, #tpu.memory_space<vmem>>, vector<1x16xi32>,
      %get3A_175 = vector.shape_cast %get3A_174 : vector<1x16xi32> to vector<16xi32>
      %sub3A_176 = vector.broadcast %mul3A_0 : i32 to vector<16xi32>
      %sub3A_177 = arith.subi %get3A_175, %sub3A_176 : vector<16xi32>
      %ge3A_178 = arith.constant 0 : i32
      %ge3A_179 = vector.broadcast %ge3A_178 : i32 to vector<16xi32>
      %ge3A_180 = arith.cmpi sge, %sub3A_177, %ge3A_179 : vector<16xi32>
      %lt3A_181 = arith.constant 5120 : i32
      %lt3A_182 = vector.broadcast %lt3A_181 : i32 to vector<16xi32>
      %lt3A_183 = arith.cmpi slt, %sub3A_177, %lt3A_182 : vector<16xi32>
      %and3A_184 = arith.andi %ge3A_180, %lt3A_183 : vector<16xi1>
      %broadcast_in_dim3A_185 = vector.broadcast %add3A_31 : i32 to vector<16xi32>
      %select_n3A_186 = arith.select %and3A_184, %sub3A_177, %broadcast_in_dim3A_185 : vector<16xi1>, vector<16xi32>
      %swap3A_187 = arith.index_cast %scan3A_99 : i32 to index
      %swap3A_188 = arith.constant 64 : index
      %swap3A_189 = tpu.vector_load %arg7[%swap3A_187, %swap3A_188] {strides = array<i32>} : memref<250x80xi32, #tpu.memory_space<vmem>>, vector<1x16xi32>,
      %swap3A_190 = vector.shape_cast %swap3A_189 : vector<1x16xi32> to vector<16xi32>
      %swap3A_191 = vector.shape_cast %select_n3A_186 : vector<16xi32> to vector<1x16xi32>
      tpu.vector_store %arg7[%swap3A_187, %swap3A_188], %swap3A_191 {strides = array<i32>} : memref<250x80xi32, #tpu.memory_space<vmem>>, vector<1x16xi32>,
    }
    %scan3A_37 = arith.constant 250 : i32
    %barrier3A = arith.constant 0 : index
    tpu.barrier barrier_id(%barrier3A)
    %dma_start3A = arith.constant 0 : i32
    %dma_start3A_38 = arith.constant 0 : i32
    %dma_start3A_39 = arith.constant 0 : i32
    %dma_start3A_40 = arith.constant 0 : i32
    %dma_start3A_41 = tpu.memref_slice %arg8[%dma_start3A_38, %dma_start3A_39, %dma_start3A_40] : memref<2x80x128xf32, #tpu.memory_space<vmem>> -> memref<1x80x128xf32, #tpu.memory_space<vmem>>
    %dma_start3A_42 = tpu.memref_squeeze %dma_start3A_41 : memref<1x80x128xf32, #tpu.memory_space<vmem>> -> memref<80x128xf32, #tpu.memory_space<vmem>>
    %dma_start3A_43 = arith.constant 0 : i32
    %dma_start3A_44 = tpu.memref_slice %arg6[%dma_start3A, %dma_start3A_43] : memref<250x80xi32, #tpu.memory_space<vmem>> -> memref<1x80xi32, #tpu.memory_space<vmem>>
    %dma_start3A_45 = tpu.memref_squeeze %dma_start3A_44 : memref<1x80xi32, #tpu.memory_space<vmem>> -> memref<80xi32, #tpu.memory_space<vmem>>
    %dma_start3A_46 = arith.constant 0 : i32
    %dma_start3A_47 = arith.constant 0 : i32
    %dma_start3A_48 = tpu.memref_slice %arg2[%dma_start3A_46, %dma_start3A_47] : memref<10000x128xf32, #tpu.memory_space<hbm>> -> memref<10000x128xf32, #tpu.memory_space<hbm>>
    tpu.enqueue_indirect_dma source(%dma_start3A_48 : memref<10000x128xf32, #tpu.memory_space<hbm>>) target(%dma_start3A_42 : memref<80x128xf32, #tpu.memory_space<vmem>>) offsets(%dma_start3A_45 : memref<80xi32, #tpu.memory_space<vmem>>) semaphore(%arg10 : memref<!tpu.dma_semaphore, #tpu.memory_space<semaphore_mem>>)
    %dma_start3A_49 = arith.constant 1 : i32
    %dma_start3A_50 = arith.constant 1 : i32
    %dma_start3A_51 = arith.constant 0 : i32
    %dma_start3A_52 = arith.constant 0 : i32
    %dma_start3A_53 = tpu.memref_slice %arg8[%dma_start3A_50, %dma_start3A_51, %dma_start3A_52] : memref<2x80x128xf32, #tpu.memory_space<vmem>> -> memref<1x80x128xf32, #tpu.memory_space<vmem>>
    %dma_start3A_54 = tpu.memref_squeeze %dma_start3A_53 : memref<1x80x128xf32, #tpu.memory_space<vmem>> -> memref<80x128xf32, #tpu.memory_space<vmem>>
    %dma_start3A_55 = arith.constant 0 : i32
    %dma_start3A_56 = tpu.memref_slice %arg6[%dma_start3A_49, %dma_start3A_55] : memref<250x80xi32, #tpu.memory_space<vmem>> -> memref<1x80xi32, #tpu.memory_space<vmem>>
    %dma_start3A_57 = tpu.memref_squeeze %dma_start3A_56 : memref<1x80xi32, #tpu.memory_space<vmem>> -> memref<80xi32, #tpu.memory_space<vmem>>
    %dma_start3A_58 = arith.constant 0 : i32
    %dma_start3A_59 = arith.constant 0 : i32
    %dma_start3A_60 = tpu.memref_slice %arg2[%dma_start3A_58, %dma_start3A_59] : memref<10000x128xf32, #tpu.memory_space<hbm>> -> memref<10000x128xf32, #tpu.memory_space<hbm>>
    tpu.enqueue_indirect_dma source(%dma_start3A_60 : memref<10000x128xf32, #tpu.memory_space<hbm>>) target(%dma_start3A_54 : memref<80x128xf32, #tpu.memory_space<vmem>>) offsets(%dma_start3A_57 : memref<80xi32, #tpu.memory_space<vmem>>) semaphore(%arg11 : memref<!tpu.dma_semaphore, #tpu.memory_space<semaphore_mem>>)
    %scan3A_61 = arith.constant 0 : i32
    %scan3A_62 = arith.constant 0 : i32
    %scan3A_63 = arith.constant 124 : i32
    %scan3A_64 = arith.addi %scan3A_62, %scan3A_63 : i32
    %scan3A_65 = arith.constant 1 : i32
    scf.for %scan3A_99 = %scan3A_62 to %scan3A_64 step %scan3A_65  : i32 {
      %mul3A_100 = arith.constant 2 : i32
      %mul3A_101 = arith.muli %mul3A_100, %scan3A_99 : i32
      %dma_wait3A_102 = arith.constant 0 : i32
      %dma_wait3A_103 = arith.constant 0 : i32
      %dma_wait3A_104 = arith.constant 0 : i32
      %dma_wait3A_105 = tpu.memref_slice %arg8[%dma_wait3A_102, %dma_wait3A_103, %dma_wait3A_104] : memref<2x80x128xf32, #tpu.memory_space<vmem>> -> memref<1x80x128xf32, #tpu.memory_space<vmem>>
      %dma_wait3A_106 = tpu.memref_squeeze %dma_wait3A_105 : memref<1x80x128xf32, #tpu.memory_space<vmem>> -> memref<80x128xf32, #tpu.memory_space<vmem>>
      %dma_wait3A_107 = arith.constant 0 : i32
      %dma_wait3A_108 = tpu.memref_slice %arg6[%mul3A_101, %dma_wait3A_107] : memref<250x80xi32, #tpu.memory_space<vmem>> -> memref<1x80xi32, #tpu.memory_space<vmem>>
      %dma_wait3A_109 = tpu.memref_squeeze %dma_wait3A_108 : memref<1x80xi32, #tpu.memory_space<vmem>> -> memref<80xi32, #tpu.memory_space<vmem>>
      %dma_wait3A_110 = arith.constant 0 : i32
      %dma_wait3A_111 = arith.constant 0 : i32
      %dma_wait3A_112 = tpu.memref_slice %arg2[%dma_wait3A_110, %dma_wait3A_111] : memref<10000x128xf32, #tpu.memory_space<hbm>> -> memref<10000x128xf32, #tpu.memory_space<hbm>>
      tpu.wait_indirect_dma semaphore(%arg10 : memref<!tpu.dma_semaphore, #tpu.memory_space<semaphore_mem>>) src(%dma_wait3A_112 : memref<10000x128xf32, #tpu.memory_space<hbm>>) dst(%dma_wait3A_106 : memref<80x128xf32, #tpu.memory_space<vmem>>)
      %run_scoped3A_113 = arith.constant 0 : i32
      "tpu.region"() ({
        %run_scoped3A_156 = tpu.sem_alloc : memref<!tpu.dma_semaphore, #tpu.memory_space<semaphore_mem>>
        %dma_start3A_157 = arith.constant 0 : i32
        %dma_start3A_158 = arith.constant 0 : i32
        %dma_start3A_159 = tpu.memref_slice %arg8[%run_scoped3A_113, %dma_start3A_157, %dma_start3A_158] : memref<2x80x128xf32, #tpu.memory_space<vmem>> -> memref<1x80x128xf32, #tpu.memory_space<vmem>>
        %dma_start3A_160 = tpu.memref_squeeze %dma_start3A_159 : memref<1x80x128xf32, #tpu.memory_space<vmem>> -> memref<80x128xf32, #tpu.memory_space<vmem>>
        %dma_start3A_161 = arith.constant 0 : i32
        %dma_start3A_162 = tpu.memref_slice %arg7[%mul3A_101, %dma_start3A_161] : memref<250x80xi32, #tpu.memory_space<vmem>> -> memref<1x80xi32, #tpu.memory_space<vmem>>
        %dma_start3A_163 = tpu.memref_squeeze %dma_start3A_162 : memref<1x80xi32, #tpu.memory_space<vmem>> -> memref<80xi32, #tpu.memory_space<vmem>>
        %dma_start3A_164 = arith.constant 0 : i32
        %dma_start3A_165 = arith.constant 0 : i32
        %dma_start3A_166 = tpu.memref_slice %arg9[%dma_start3A_164, %dma_start3A_165] : memref<5248x128xf32, #tpu.memory_space<vmem_shared>> -> memref<5248x128xf32, #tpu.memory_space<vmem_shared>>
        tpu.enqueue_indirect_dma source(%dma_start3A_160 : memref<80x128xf32, #tpu.memory_space<vmem>>) target(%dma_start3A_166 : memref<5248x128xf32, #tpu.memory_space<vmem_shared>>) offsets(%dma_start3A_163 : memref<80xi32, #tpu.memory_space<vmem>>) semaphore(%run_scoped3A_156 : memref<!tpu.dma_semaphore, #tpu.memory_space<semaphore_mem>>) {add = true}
        %dma_wait3A_167 = arith.constant 0 : i32
        %dma_wait3A_168 = arith.constant 0 : i32
        %dma_wait3A_169 = tpu.memref_slice %arg8[%run_scoped3A_113, %dma_wait3A_167, %dma_wait3A_168] : memref<2x80x128xf32, #tpu.memory_space<vmem>> -> memref<1x80x128xf32, #tpu.memory_space<vmem>>
        %dma_wait3A_170 = tpu.memref_squeeze %dma_wait3A_169 : memref<1x80x128xf32, #tpu.memory_space<vmem>> -> memref<80x128xf32, #tpu.memory_space<vmem>>
        %dma_wait3A_171 = arith.constant 0 : i32
        %dma_wait3A_172 = tpu.memref_slice %arg7[%mul3A_101, %dma_wait3A_171] : memref<250x80xi32, #tpu.memory_space<vmem>> -> memref<1x80xi32, #tpu.memory_space<vmem>>
        %dma_wait3A_173 = tpu.memref_squeeze %dma_wait3A_172 : memref<1x80xi32, #tpu.memory_space<vmem>> -> memref<80xi32, #tpu.memory_space<vmem>>
        %dma_wait3A_174 = arith.constant 0 : i32
        %dma_wait3A_175 = arith.constant 0 : i32
        %dma_wait3A_176 = tpu.memref_slice %arg9[%dma_wait3A_174, %dma_wait3A_175] : memref<5248x128xf32, #tpu.memory_space<vmem_shared>> -> memref<5248x128xf32, #tpu.memory_space<vmem_shared>>
        tpu.wait_indirect_dma semaphore(%run_scoped3A_156 : memref<!tpu.dma_semaphore, #tpu.memory_space<semaphore_mem>>) src(%dma_wait3A_170 : memref<80x128xf32, #tpu.memory_space<vmem>>) dst(%dma_wait3A_176 : memref<5248x128xf32, #tpu.memory_space<vmem_shared>>)
        tpu.yield
      }) : () -> ()
      %add3A_114 = arith.constant 2 : i32
      %add3A_115 = arith.addi %mul3A_101, %add3A_114 : i32
      %dma_start3A_116 = arith.constant 0 : i32
      %dma_start3A_117 = arith.constant 0 : i32
      %dma_start3A_118 = arith.constant 0 : i32
      %dma_start3A_119 = tpu.memref_slice %arg8[%dma_start3A_116, %dma_start3A_117, %dma_start3A_118] : memref<2x80x128xf32, #tpu.memory_space<vmem>> -> memref<1x80x128xf32, #tpu.memory_space<vmem>>
      %dma_start3A_120 = tpu.memref_squeeze %dma_start3A_119 : memref<1x80x128xf32, #tpu.memory_space<vmem>> -> memref<80x128xf32, #tpu.memory_space<vmem>>
      %dma_start3A_121 = arith.constant 0 : i32
      %dma_start3A_122 = tpu.memref_slice %arg6[%add3A_115, %dma_start3A_121] : memref<250x80xi32, #tpu.memory_space<vmem>> -> memref<1x80xi32, #tpu.memory_space<vmem>>
      %dma_start3A_123 = tpu.memref_squeeze %dma_start3A_122 : memref<1x80xi32, #tpu.memory_space<vmem>> -> memref<80xi32, #tpu.memory_space<vmem>>
      %dma_start3A_124 = arith.constant 0 : i32
      %dma_start3A_125 = arith.constant 0 : i32
      %dma_start3A_126 = tpu.memref_slice %arg2[%dma_start3A_124, %dma_start3A_125] : memref<10000x128xf32, #tpu.memory_space<hbm>> -> memref<10000x128xf32, #tpu.memory_space<hbm>>
      tpu.enqueue_indirect_dma source(%dma_start3A_126 : memref<10000x128xf32, #tpu.memory_space<hbm>>) target(%dma_start3A_120 : memref<80x128xf32, #tpu.memory_space<vmem>>) offsets(%dma_start3A_123 : memref<80xi32, #tpu.memory_space<vmem>>) semaphore(%arg10 : memref<!tpu.dma_semaphore, #tpu.memory_space<semaphore_mem>>)
      %add3A_127 = arith.constant 1 : i32
      %add3A_128 = arith.addi %mul3A_101, %add3A_127 : i32
      %dma_wait3A_129 = arith.constant 1 : i32
      %dma_wait3A_130 = arith.constant 0 : i32
      %dma_wait3A_131 = arith.constant 0 : i32
      %dma_wait3A_132 = tpu.memref_slice %arg8[%dma_wait3A_129, %dma_wait3A_130, %dma_wait3A_131] : memref<2x80x128xf32, #tpu.memory_space<vmem>> -> memref<1x80x128xf32, #tpu.memory_space<vmem>>
      %dma_wait3A_133 = tpu.memref_squeeze %dma_wait3A_132 : memref<1x80x128xf32, #tpu.memory_space<vmem>> -> memref<80x128xf32, #tpu.memory_space<vmem>>
      %dma_wait3A_134 = arith.constant 0 : i32
      %dma_wait3A_135 = tpu.memref_slice %arg6[%add3A_128, %dma_wait3A_134] : memref<250x80xi32, #tpu.memory_space<vmem>> -> memref<1x80xi32, #tpu.memory_space<vmem>>
      %dma_wait3A_136 = tpu.memref_squeeze %dma_wait3A_135 : memref<1x80xi32, #tpu.memory_space<vmem>> -> memref<80xi32, #tpu.memory_space<vmem>>
      %dma_wait3A_137 = arith.constant 0 : i32
      %dma_wait3A_138 = arith.constant 0 : i32
      %dma_wait3A_139 = tpu.memref_slice %arg2[%dma_wait3A_137, %dma_wait3A_138] : memref<10000x128xf32, #tpu.memory_space<hbm>> -> memref<10000x128xf32, #tpu.memory_space<hbm>>
      tpu.wait_indirect_dma semaphore(%arg11 : memref<!tpu.dma_semaphore, #tpu.memory_space<semaphore_mem>>) src(%dma_wait3A_139 : memref<10000x128xf32, #tpu.memory_space<hbm>>) dst(%dma_wait3A_133 : memref<80x128xf32, #tpu.memory_space<vmem>>)
      %add3A_140 = arith.constant 1 : i32
      %add3A_141 = arith.addi %mul3A_101, %add3A_140 : i32
      %run_scoped3A_142 = arith.constant 1 : i32
      "tpu.region"() ({
        %run_scoped3A_156 = tpu.sem_alloc : memref<!tpu.dma_semaphore, #tpu.memory_space<semaphore_mem>>
        %dma_start3A_157 = arith.constant 0 : i32
        %dma_start3A_158 = arith.constant 0 : i32
        %dma_start3A_159 = tpu.memref_slice %arg8[%run_scoped3A_142, %dma_start3A_157, %dma_start3A_158] : memref<2x80x128xf32, #tpu.memory_space<vmem>> -> memref<1x80x128xf32, #tpu.memory_space<vmem>>
        %dma_start3A_160 = tpu.memref_squeeze %dma_start3A_159 : memref<1x80x128xf32, #tpu.memory_space<vmem>> -> memref<80x128xf32, #tpu.memory_space<vmem>>
        %dma_start3A_161 = arith.constant 0 : i32
        %dma_start3A_162 = tpu.memref_slice %arg7[%add3A_141, %dma_start3A_161] : memref<250x80xi32, #tpu.memory_space<vmem>> -> memref<1x80xi32, #tpu.memory_space<vmem>>
        %dma_start3A_163 = tpu.memref_squeeze %dma_start3A_162 : memref<1x80xi32, #tpu.memory_space<vmem>> -> memref<80xi32, #tpu.memory_space<vmem>>
        %dma_start3A_164 = arith.constant 0 : i32
        %dma_start3A_165 = arith.constant 0 : i32
        %dma_start3A_166 = tpu.memref_slice %arg9[%dma_start3A_164, %dma_start3A_165] : memref<5248x128xf32, #tpu.memory_space<vmem_shared>> -> memref<5248x128xf32, #tpu.memory_space<vmem_shared>>
        tpu.enqueue_indirect_dma source(%dma_start3A_160 : memref<80x128xf32, #tpu.memory_space<vmem>>) target(%dma_start3A_166 : memref<5248x128xf32, #tpu.memory_space<vmem_shared>>) offsets(%dma_start3A_163 : memref<80xi32, #tpu.memory_space<vmem>>) semaphore(%run_scoped3A_156 : memref<!tpu.dma_semaphore, #tpu.memory_space<semaphore_mem>>) {add = true}
        %dma_wait3A_167 = arith.constant 0 : i32
        %dma_wait3A_168 = arith.constant 0 : i32
        %dma_wait3A_169 = tpu.memref_slice %arg8[%run_scoped3A_142, %dma_wait3A_167, %dma_wait3A_168] : memref<2x80x128xf32, #tpu.memory_space<vmem>> -> memref<1x80x128xf32, #tpu.memory_space<vmem>>
        %dma_wait3A_170 = tpu.memref_squeeze %dma_wait3A_169 : memref<1x80x128xf32, #tpu.memory_space<vmem>> -> memref<80x128xf32, #tpu.memory_space<vmem>>
        %dma_wait3A_171 = arith.constant 0 : i32
        %dma_wait3A_172 = tpu.memref_slice %arg7[%add3A_141, %dma_wait3A_171] : memref<250x80xi32, #tpu.memory_space<vmem>> -> memref<1x80xi32, #tpu.memory_space<vmem>>
        %dma_wait3A_173 = tpu.memref_squeeze %dma_wait3A_172 : memref<1x80xi32, #tpu.memory_space<vmem>> -> memref<80xi32, #tpu.memory_space<vmem>>
        %dma_wait3A_174 = arith.constant 0 : i32
        %dma_wait3A_175 = arith.constant 0 : i32
        %dma_wait3A_176 = tpu.memref_slice %arg9[%dma_wait3A_174, %dma_wait3A_175] : memref<5248x128xf32, #tpu.memory_space<vmem_shared>> -> memref<5248x128xf32, #tpu.memory_space<vmem_shared>>
        tpu.wait_indirect_dma semaphore(%run_scoped3A_156 : memref<!tpu.dma_semaphore, #tpu.memory_space<semaphore_mem>>) src(%dma_wait3A_170 : memref<80x128xf32, #tpu.memory_space<vmem>>) dst(%dma_wait3A_176 : memref<5248x128xf32, #tpu.memory_space<vmem_shared>>)
        tpu.yield
      }) : () -> ()
      %add3A_143 = arith.constant 3 : i32
      %add3A_144 = arith.addi %mul3A_101, %add3A_143 : i32
      %dma_start3A_145 = arith.constant 1 : i32
      %dma_start3A_146 = arith.constant 0 : i32
      %dma_start3A_147 = arith.constant 0 : i32
      %dma_start3A_148 = tpu.memref_slice %arg8[%dma_start3A_145, %dma_start3A_146, %dma_start3A_147] : memref<2x80x128xf32, #tpu.memory_space<vmem>> -> memref<1x80x128xf32, #tpu.memory_space<vmem>>
      %dma_start3A_149 = tpu.memref_squeeze %dma_start3A_148 : memref<1x80x128xf32, #tpu.memory_space<vmem>> -> memref<80x128xf32, #tpu.memory_space<vmem>>
      %dma_start3A_150 = arith.constant 0 : i32
      %dma_start3A_151 = tpu.memref_slice %arg6[%add3A_144, %dma_start3A_150] : memref<250x80xi32, #tpu.memory_space<vmem>> -> memref<1x80xi32, #tpu.memory_space<vmem>>
      %dma_start3A_152 = tpu.memref_squeeze %dma_start3A_151 : memref<1x80xi32, #tpu.memory_space<vmem>> -> memref<80xi32, #tpu.memory_space<vmem>>
      %dma_start3A_153 = arith.constant 0 : i32
      %dma_start3A_154 = arith.constant 0 : i32
      %dma_start3A_155 = tpu.memref_slice %arg2[%dma_start3A_153, %dma_start3A_154] : memref<10000x128xf32, #tpu.memory_space<hbm>> -> memref<10000x128xf32, #tpu.memory_space<hbm>>
      tpu.enqueue_indirect_dma source(%dma_start3A_155 : memref<10000x128xf32, #tpu.memory_space<hbm>>) target(%dma_start3A_149 : memref<80x128xf32, #tpu.memory_space<vmem>>) offsets(%dma_start3A_152 : memref<80xi32, #tpu.memory_space<vmem>>) semaphore(%arg11 : memref<!tpu.dma_semaphore, #tpu.memory_space<semaphore_mem>>)
    }
    %scan3A_66 = arith.constant 124 : i32
    %dma_wait3A = arith.constant 248 : i32
    %dma_wait3A_67 = arith.constant 0 : i32
    %dma_wait3A_68 = arith.constant 0 : i32
    %dma_wait3A_69 = arith.constant 0 : i32
    %dma_wait3A_70 = tpu.memref_slice %arg8[%dma_wait3A_67, %dma_wait3A_68, %dma_wait3A_69] : memref<2x80x128xf32, #tpu.memory_space<vmem>> -> memref<1x80x128xf32, #tpu.memory_space<vmem>>
    %dma_wait3A_71 = tpu.memref_squeeze %dma_wait3A_70 : memref<1x80x128xf32, #tpu.memory_space<vmem>> -> memref<80x128xf32, #tpu.memory_space<vmem>>
    %dma_wait3A_72 = arith.constant 0 : i32
    %dma_wait3A_73 = tpu.memref_slice %arg6[%dma_wait3A, %dma_wait3A_72] : memref<250x80xi32, #tpu.memory_space<vmem>> -> memref<1x80xi32, #tpu.memory_space<vmem>>
    %dma_wait3A_74 = tpu.memref_squeeze %dma_wait3A_73 : memref<1x80xi32, #tpu.memory_space<vmem>> -> memref<80xi32, #tpu.memory_space<vmem>>
    %dma_wait3A_75 = arith.constant 0 : i32
    %dma_wait3A_76 = arith.constant 0 : i32
    %dma_wait3A_77 = tpu.memref_slice %arg2[%dma_wait3A_75, %dma_wait3A_76] : memref<10000x128xf32, #tpu.memory_space<hbm>> -> memref<10000x128xf32, #tpu.memory_space<hbm>>
    tpu.wait_indirect_dma semaphore(%arg10 : memref<!tpu.dma_semaphore, #tpu.memory_space<semaphore_mem>>) src(%dma_wait3A_77 : memref<10000x128xf32, #tpu.memory_space<hbm>>) dst(%dma_wait3A_71 : memref<80x128xf32, #tpu.memory_space<vmem>>)
    %run_scoped3A_78 = arith.constant 0 : i32
    %run_scoped3A_79 = arith.constant 248 : i32
    "tpu.region"() ({
      %run_scoped3A_99 = tpu.sem_alloc : memref<!tpu.dma_semaphore, #tpu.memory_space<semaphore_mem>>
      %dma_start3A_100 = arith.constant 0 : i32
      %dma_start3A_101 = arith.constant 0 : i32
      %dma_start3A_102 = tpu.memref_slice %arg8[%run_scoped3A_78, %dma_start3A_100, %dma_start3A_101] : memref<2x80x128xf32, #tpu.memory_space<vmem>> -> memref<1x80x128xf32, #tpu.memory_space<vmem>>
      %dma_start3A_103 = tpu.memref_squeeze %dma_start3A_102 : memref<1x80x128xf32, #tpu.memory_space<vmem>> -> memref<80x128xf32, #tpu.memory_space<vmem>>
      %dma_start3A_104 = arith.constant 0 : i32
      %dma_start3A_105 = tpu.memref_slice %arg7[%run_scoped3A_79, %dma_start3A_104] : memref<250x80xi32, #tpu.memory_space<vmem>> -> memref<1x80xi32, #tpu.memory_space<vmem>>
      %dma_start3A_106 = tpu.memref_squeeze %dma_start3A_105 : memref<1x80xi32, #tpu.memory_space<vmem>> -> memref<80xi32, #tpu.memory_space<vmem>>
      %dma_start3A_107 = arith.constant 0 : i32
      %dma_start3A_108 = arith.constant 0 : i32
      %dma_start3A_109 = tpu.memref_slice %arg9[%dma_start3A_107, %dma_start3A_108] : memref<5248x128xf32, #tpu.memory_space<vmem_shared>> -> memref<5248x128xf32, #tpu.memory_space<vmem_shared>>
      tpu.enqueue_indirect_dma source(%dma_start3A_103 : memref<80x128xf32, #tpu.memory_space<vmem>>) target(%dma_start3A_109 : memref<5248x128xf32, #tpu.memory_space<vmem_shared>>) offsets(%dma_start3A_106 : memref<80xi32, #tpu.memory_space<vmem>>) semaphore(%run_scoped3A_99 : memref<!tpu.dma_semaphore, #tpu.memory_space<semaphore_mem>>) {add = true}
      %dma_wait3A_110 = arith.constant 0 : i32
      %dma_wait3A_111 = arith.constant 0 : i32
      %dma_wait3A_112 = tpu.memref_slice %arg8[%run_scoped3A_78, %dma_wait3A_110, %dma_wait3A_111] : memref<2x80x128xf32, #tpu.memory_space<vmem>> -> memref<1x80x128xf32, #tpu.memory_space<vmem>>
      %dma_wait3A_113 = tpu.memref_squeeze %dma_wait3A_112 : memref<1x80x128xf32, #tpu.memory_space<vmem>> -> memref<80x128xf32, #tpu.memory_space<vmem>>
      %dma_wait3A_114 = arith.constant 0 : i32
      %dma_wait3A_115 = tpu.memref_slice %arg7[%run_scoped3A_79, %dma_wait3A_114] : memref<250x80xi32, #tpu.memory_space<vmem>> -> memref<1x80xi32, #tpu.memory_space<vmem>>
      %dma_wait3A_116 = tpu.memref_squeeze %dma_wait3A_115 : memref<1x80xi32, #tpu.memory_space<vmem>> -> memref<80xi32, #tpu.memory_space<vmem>>
      %dma_wait3A_117 = arith.constant 0 : i32
      %dma_wait3A_118 = arith.constant 0 : i32
      %dma_wait3A_119 = tpu.memref_slice %arg9[%dma_wait3A_117, %dma_wait3A_118] : memref<5248x128xf32, #tpu.memory_space<vmem_shared>> -> memref<5248x128xf32, #tpu.memory_space<vmem_shared>>
      tpu.wait_indirect_dma semaphore(%run_scoped3A_99 : memref<!tpu.dma_semaphore, #tpu.memory_space<semaphore_mem>>) src(%dma_wait3A_113 : memref<80x128xf32, #tpu.memory_space<vmem>>) dst(%dma_wait3A_119 : memref<5248x128xf32, #tpu.memory_space<vmem_shared>>)
      tpu.yield
    }) : () -> ()
    %dma_wait3A_80 = arith.constant 249 : i32
    %dma_wait3A_81 = arith.constant 1 : i32
    %dma_wait3A_82 = arith.constant 0 : i32
    %dma_wait3A_83 = arith.constant 0 : i32
    %dma_wait3A_84 = tpu.memref_slice %arg8[%dma_wait3A_81, %dma_wait3A_82, %dma_wait3A_83] : memref<2x80x128xf32, #tpu.memory_space<vmem>> -> memref<1x80x128xf32, #tpu.memory_space<vmem>>
    %dma_wait3A_85 = tpu.memref_squeeze %dma_wait3A_84 : memref<1x80x128xf32, #tpu.memory_space<vmem>> -> memref<80x128xf32, #tpu.memory_space<vmem>>
    %dma_wait3A_86 = arith.constant 0 : i32
    %dma_wait3A_87 = tpu.memref_slice %arg6[%dma_wait3A_80, %dma_wait3A_86] : memref<250x80xi32, #tpu.memory_space<vmem>> -> memref<1x80xi32, #tpu.memory_space<vmem>>
    %dma_wait3A_88 = tpu.memref_squeeze %dma_wait3A_87 : memref<1x80xi32, #tpu.memory_space<vmem>> -> memref<80xi32, #tpu.memory_space<vmem>>
    %dma_wait3A_89 = arith.constant 0 : i32
    %dma_wait3A_90 = arith.constant 0 : i32
    %dma_wait3A_91 = tpu.memref_slice %arg2[%dma_wait3A_89, %dma_wait3A_90] : memref<10000x128xf32, #tpu.memory_space<hbm>> -> memref<10000x128xf32, #tpu.memory_space<hbm>>
    tpu.wait_indirect_dma semaphore(%arg11 : memref<!tpu.dma_semaphore, #tpu.memory_space<semaphore_mem>>) src(%dma_wait3A_91 : memref<10000x128xf32, #tpu.memory_space<hbm>>) dst(%dma_wait3A_85 : memref<80x128xf32, #tpu.memory_space<vmem>>)
    %run_scoped3A_92 = arith.constant 1 : i32
    %run_scoped3A_93 = arith.constant 249 : i32
    "tpu.region"() ({
      %run_scoped3A_99 = tpu.sem_alloc : memref<!tpu.dma_semaphore, #tpu.memory_space<semaphore_mem>>
      %dma_start3A_100 = arith.constant 0 : i32
      %dma_start3A_101 = arith.constant 0 : i32
      %dma_start3A_102 = tpu.memref_slice %arg8[%run_scoped3A_92, %dma_start3A_100, %dma_start3A_101] : memref<2x80x128xf32, #tpu.memory_space<vmem>> -> memref<1x80x128xf32, #tpu.memory_space<vmem>>
      %dma_start3A_103 = tpu.memref_squeeze %dma_start3A_102 : memref<1x80x128xf32, #tpu.memory_space<vmem>> -> memref<80x128xf32, #tpu.memory_space<vmem>>
      %dma_start3A_104 = arith.constant 0 : i32
      %dma_start3A_105 = tpu.memref_slice %arg7[%run_scoped3A_93, %dma_start3A_104] : memref<250x80xi32, #tpu.memory_space<vmem>> -> memref<1x80xi32, #tpu.memory_space<vmem>>
      %dma_start3A_106 = tpu.memref_squeeze %dma_start3A_105 : memref<1x80xi32, #tpu.memory_space<vmem>> -> memref<80xi32, #tpu.memory_space<vmem>>
      %dma_start3A_107 = arith.constant 0 : i32
      %dma_start3A_108 = arith.constant 0 : i32
      %dma_start3A_109 = tpu.memref_slice %arg9[%dma_start3A_107, %dma_start3A_108] : memref<5248x128xf32, #tpu.memory_space<vmem_shared>> -> memref<5248x128xf32, #tpu.memory_space<vmem_shared>>
      tpu.enqueue_indirect_dma source(%dma_start3A_103 : memref<80x128xf32, #tpu.memory_space<vmem>>) target(%dma_start3A_109 : memref<5248x128xf32, #tpu.memory_space<vmem_shared>>) offsets(%dma_start3A_106 : memref<80xi32, #tpu.memory_space<vmem>>) semaphore(%run_scoped3A_99 : memref<!tpu.dma_semaphore, #tpu.memory_space<semaphore_mem>>) {add = true}
      %dma_wait3A_110 = arith.constant 0 : i32
      %dma_wait3A_111 = arith.constant 0 : i32
      %dma_wait3A_112 = tpu.memref_slice %arg8[%run_scoped3A_92, %dma_wait3A_110, %dma_wait3A_111] : memref<2x80x128xf32, #tpu.memory_space<vmem>> -> memref<1x80x128xf32, #tpu.memory_space<vmem>>
      %dma_wait3A_113 = tpu.memref_squeeze %dma_wait3A_112 : memref<1x80x128xf32, #tpu.memory_space<vmem>> -> memref<80x128xf32, #tpu.memory_space<vmem>>
      %dma_wait3A_114 = arith.constant 0 : i32
      %dma_wait3A_115 = tpu.memref_slice %arg7[%run_scoped3A_93, %dma_wait3A_114] : memref<250x80xi32, #tpu.memory_space<vmem>> -> memref<1x80xi32, #tpu.memory_space<vmem>>
      %dma_wait3A_116 = tpu.memref_squeeze %dma_wait3A_115 : memref<1x80xi32, #tpu.memory_space<vmem>> -> memref<80xi32, #tpu.memory_space<vmem>>
      %dma_wait3A_117 = arith.constant 0 : i32
      %dma_wait3A_118 = arith.constant 0 : i32
      %dma_wait3A_119 = tpu.memref_slice %arg9[%dma_wait3A_117, %dma_wait3A_118] : memref<5248x128xf32, #tpu.memory_space<vmem_shared>> -> memref<5248x128xf32, #tpu.memory_space<vmem_shared>>
      tpu.wait_indirect_dma semaphore(%run_scoped3A_99 : memref<!tpu.dma_semaphore, #tpu.memory_space<semaphore_mem>>) src(%dma_wait3A_113 : memref<80x128xf32, #tpu.memory_space<vmem>>) dst(%dma_wait3A_119 : memref<5248x128xf32, #tpu.memory_space<vmem_shared>>)
      tpu.yield
    }) : () -> ()
    %barrier3A_94 = arith.constant 0 : index
    tpu.barrier barrier_id(%barrier3A_94)
    %mul3A_95 = arith.constant 328 : i32
    %mul3A_96 = arith.muli %arg1, %mul3A_95 : i32
    %mul3A_97 = arith.constant 328 : i32
    %mul3A_98 = arith.muli %arg1, %mul3A_97 : i32
    "tpu.region"() ({
      %run_scoped3A_99 = tpu.sem_alloc : memref<!tpu.dma_semaphore, #tpu.memory_space<semaphore_mem>>
      %dma_start3A_100 = arith.constant 0 : i32
      %dma_start3A_101 = arith.constant 0 : i32
      %dma_start3A_102 = tpu.memref_slice %arg5[%arg0, %dma_start3A_100, %dma_start3A_101] : memref<2x5248x128xf32, #tpu.memory_space<hbm>> -> memref<1x5248x128xf32, #tpu.memory_space<hbm>>
      %dma_start3A_103 = tpu.memref_squeeze %dma_start3A_102 : memref<1x5248x128xf32, #tpu.memory_space<hbm>> -> memref<5248x128xf32, #tpu.memory_space<hbm>>
      %dma_start3A_104 = arith.constant 0 : i32
      %dma_start3A_105 = tpu.memref_slice %dma_start3A_103[%mul3A_98, %dma_start3A_104] : memref<5248x128xf32, #tpu.memory_space<hbm>> -> memref<328x128xf32, #tpu.memory_space<hbm>>
      %dma_start3A_106 = arith.constant 0 : i32
      %dma_start3A_107 = tpu.memref_slice %arg9[%mul3A_96, %dma_start3A_106] : memref<5248x128xf32, #tpu.memory_space<vmem_shared>> -> memref<328x128xf32, #tpu.memory_space<vmem_shared>>
      tpu.enqueue_dma source(%dma_start3A_107 : memref<328x128xf32, #tpu.memory_space<vmem_shared>>) target(%dma_start3A_105 : memref<328x128xf32, #tpu.memory_space<hbm>>) target_semaphore(%run_scoped3A_99 : memref<!tpu.dma_semaphore, #tpu.memory_space<semaphore_mem>>)
      %dma_wait3A_108 = arith.constant 0 : i32
      %dma_wait3A_109 = arith.constant 0 : i32
      %dma_wait3A_110 = tpu.memref_slice %arg5[%arg0, %dma_wait3A_108, %dma_wait3A_109] : memref<2x5248x128xf32, #tpu.memory_space<hbm>> -> memref<1x5248x128xf32, #tpu.memory_space<hbm>>
      %dma_wait3A_111 = tpu.memref_squeeze %dma_wait3A_110 : memref<1x5248x128xf32, #tpu.memory_space<hbm>> -> memref<5248x128xf32, #tpu.memory_space<hbm>>
      %dma_wait3A_112 = arith.constant 0 : i32
      %dma_wait3A_113 = tpu.memref_slice %dma_wait3A_111[%mul3A_98, %dma_wait3A_112] : memref<5248x128xf32, #tpu.memory_space<hbm>> -> memref<328x128xf32, #tpu.memory_space<hbm>>
      %dma_wait3A_114 = arith.constant 0 : i32
      %dma_wait3A_115 = tpu.memref_slice %arg9[%mul3A_96, %dma_wait3A_114] : memref<5248x128xf32, #tpu.memory_space<vmem_shared>> -> memref<328x128xf32, #tpu.memory_space<vmem_shared>>
      tpu.wait_dma2 semaphore(%run_scoped3A_99 : memref<!tpu.dma_semaphore, #tpu.memory_space<semaphore_mem>>) src(%dma_wait3A_115 : memref<328x128xf32, #tpu.memory_space<vmem_shared>>) dst(%dma_wait3A_113 : memref<328x128xf32, #tpu.memory_space<hbm>>)
      tpu.yield
    }) : () -> ()
    return
  }
}

module attributes {stable_mosaic.version = 14 : i64} {
  func.func @_embed_body(%arg0: memref<10000x1xi32, #tpu.memory_space<vmem>>, %arg1: memref<128x128xf32, #tpu.memory_space<vmem>>, %arg2: memref<10000x128xf32, #tpu.memory_space<vmem>>, %arg3: memref<1x128xf32, #tpu.memory_space<vmem>>) attributes {dimension_semantics = [], scalar_prefetch = 0 : i64, scratch_operands = 0 : i64, tpu.core_type = #tpu.core_type<tc>} {
    %get3A = arith.constant 0 : index
    %get3A_0 = arith.constant 0 : index
    %get3A_1 = vector.load %arg0[%get3A, %get3A_0] : memref<10000x1xi32, #tpu.memory_space<vmem>>, vector<10000x1xi32>
    %iota3A = tpu.iota {dimensions = array<i32: 1>} : vector<10000x128xi32>
    %eq3A = vector.broadcast %get3A_1 : vector<10000x1xi32> to vector<10000x128xi32>
    %eq3A_2 = arith.cmpi eq, %iota3A, %eq3A : vector<10000x128xi32>
    %convert_element_type3A = arith.extui %eq3A_2 : vector<10000x128xi1> to vector<10000x128xi32>
    %convert_element_type3A_3 = arith.sitofp %convert_element_type3A : vector<10000x128xi32> to vector<10000x128xf32>
    %get3A_4 = arith.constant 0 : index
    %get3A_5 = arith.constant 0 : index
    %get3A_6 = vector.load %arg1[%get3A_4, %get3A_5] : memref<128x128xf32, #tpu.memory_space<vmem>>, vector<128x128xf32>
    %dot_general3A = arith.constant dense<0.000000e+00> : vector<10000x128xf32>
    %dot_general3A_7 = tpu.matmul %convert_element_type3A_3, %get3A_6, %dot_general3A {dimension_numbers = #tpu.dot_dimension_numbers<[1], [0], [0], [1], [0, 0, 1, 1], [], []>, transpose_lhs_hint = false} : vector<10000x128xf32>, vector<128x128xf32>, vector<10000x128xf32> -> vector<10000x128xf32>
    %swap3A = arith.constant 0 : index
    %swap3A_8 = arith.constant 0 : index
    %swap3A_9 = vector.load %arg2[%swap3A, %swap3A_8] : memref<10000x128xf32, #tpu.memory_space<vmem>>, vector<10000x128xf32>
    tpu.vector_store %arg2[%swap3A, %swap3A_8], %dot_general3A_7 {strides = array<i32>} : memref<10000x128xf32, #tpu.memory_space<vmem>>, vector<10000x128xf32>,
    %reduce_sum3A = arith.constant dense<0.000000e+00> : vector<128xf32>
    %reduce_sum3A_10 = vector.multi_reduction <add>, %dot_general3A_7, %reduce_sum3A [0] : vector<10000x128xf32> to vector<128xf32>
    %broadcast_in_dim3A = vector.shape_cast %reduce_sum3A_10 : vector<128xf32> to vector<1x128xf32>
    %swap3A_11 = arith.constant 0 : index
    %swap3A_12 = arith.constant 0 : index
    %swap3A_13 = vector.load %arg3[%swap3A_11, %swap3A_12] : memref<1x128xf32, #tpu.memory_space<vmem>>, vector<1x128xf32>
    tpu.vector_store %arg3[%swap3A_11, %swap3A_12], %broadcast_in_dim3A {strides = array<i32>} : memref<1x128xf32, #tpu.memory_space<vmem>>, vector<1x128xf32>,
    return
  }
}

module attributes {stable_mosaic.version = 14 : i64} {
  func.func @_dense_body(%arg0: memref<1xf32, #tpu.memory_space<smem>>, %arg1: memref<10000x128xf32, #tpu.memory_space<vmem>>, %arg2: memref<2x5248x128xf32, #tpu.memory_space<vmem>>, %arg3: memref<128x128xf32, #tpu.memory_space<vmem>>, %arg4: memref<1x128xf32, #tpu.memory_space<vmem>>, %arg5: memref<1x128xf32, #tpu.memory_space<vmem>>, %arg6: memref<1x128xf32, #tpu.memory_space<vmem>>, %arg7: memref<128x128xf32, #tpu.memory_space<vmem>>, %arg8: memref<1x128xf32, #tpu.memory_space<vmem>>, %arg9: memref<10000x128xf32, #tpu.memory_space<vmem>>, %arg10: memref<1x128xf32, #tpu.memory_space<vmem>>) attributes {dimension_semantics = [], scalar_prefetch = 0 : i64, scratch_operands = 0 : i64, tpu.core_type = #tpu.core_type<tc>} {
    %get3A = arith.constant 0 : index
    %get3A_0 = arith.constant 0 : index
    %get3A_1 = vector.load %arg1[%get3A, %get3A_0] : memref<10000x128xf32, #tpu.memory_space<vmem>>, vector<10000x128xf32>
    %get3A_2 = arith.constant 0 : index
    %get3A_3 = arith.constant 0 : index
    %get3A_4 = arith.constant 0 : index
    %get3A_5 = vector.load %arg2[%get3A_2, %get3A_3, %get3A_4] : memref<2x5248x128xf32, #tpu.memory_space<vmem>>, vector<1x5120x128xf32>
    %get3A_6 = vector.shape_cast %get3A_5 : vector<1x5120x128xf32> to vector<5120x128xf32>
    %get3A_7 = arith.constant 1 : index
    %get3A_8 = arith.constant 0 : index
    %get3A_9 = arith.constant 0 : index
    %get3A_10 = vector.load %arg2[%get3A_7, %get3A_8, %get3A_9] : memref<2x5248x128xf32, #tpu.memory_space<vmem>>, vector<1x4880x128xf32>
    %get3A_11 = vector.shape_cast %get3A_10 : vector<1x4880x128xf32> to vector<4880x128xf32>
    %concatenate3A = tpu.concatenate %get3A_6, %get3A_11 in 0 : vector<5120x128xf32>, vector<4880x128xf32> -> vector<10000x128xf32>
    %get3A_12 = arith.constant 0 : index
    %get3A_13 = memref.load %arg0[%get3A_12] : memref<1xf32, #tpu.memory_space<smem>>
    %add3A = arith.constant 1.000000e+00 : f32
    %add3A_14 = arith.addf %add3A, %get3A_13 : f32
    %mul3A = vector.broadcast %add3A_14 : f32 to vector<10000x128xf32>
    %mul3A_15 = arith.mulf %mul3A, %get3A_1 : vector<10000x128xf32>
    %add3A_16 = arith.addf %mul3A_15, %concatenate3A : vector<10000x128xf32>
    %get3A_17 = arith.constant 0 : index
    %get3A_18 = arith.constant 0 : index
    %get3A_19 = vector.load %arg3[%get3A_17, %get3A_18] : memref<128x128xf32, #tpu.memory_space<vmem>>, vector<128x128xf32>
    %dot_general3A = arith.constant dense<0.000000e+00> : vector<10000x128xf32>
    %dot_general3A_20 = tpu.matmul %add3A_16, %get3A_19, %dot_general3A {dimension_numbers = #tpu.dot_dimension_numbers<[1], [0], [0], [1], [0, 0, 1, 1], [], []>, transpose_lhs_hint = false} : vector<10000x128xf32>, vector<128x128xf32>, vector<10000x128xf32> -> vector<10000x128xf32>
    %get3A_21 = arith.constant 0 : index
    %get3A_22 = arith.constant 0 : index
    %get3A_23 = vector.load %arg4[%get3A_21, %get3A_22] : memref<1x128xf32, #tpu.memory_space<vmem>>, vector<1x128xf32>
    %add3A_24 = vector.broadcast %get3A_23 : vector<1x128xf32> to vector<10000x128xf32>
    %add3A_25 = arith.addf %dot_general3A_20, %add3A_24 : vector<10000x128xf32>
    %reduce_sum3A = arith.constant dense<0.000000e+00> : vector<128xf32>
    %reduce_sum3A_26 = vector.multi_reduction <add>, %add3A_25, %reduce_sum3A [0] : vector<10000x128xf32> to vector<128xf32>
    %broadcast_in_dim3A = vector.shape_cast %reduce_sum3A_26 : vector<128xf32> to vector<1x128xf32>
    %div3A = arith.constant 1.000000e+04 : f32
    %div3A_27 = vector.broadcast %div3A : f32 to vector<1x128xf32>
    %div3A_28 = arith.divf %broadcast_in_dim3A, %div3A_27 : vector<1x128xf32>
    %sub3A = vector.broadcast %div3A_28 : vector<1x128xf32> to vector<10000x128xf32>
    %sub3A_29 = arith.subf %add3A_25, %sub3A : vector<10000x128xf32>
    %mul3A_30 = arith.mulf %sub3A_29, %sub3A_29 : vector<10000x128xf32>
    %reduce_sum3A_31 = arith.constant dense<0.000000e+00> : vector<128xf32>
    %reduce_sum3A_32 = vector.multi_reduction <add>, %mul3A_30, %reduce_sum3A_31 [0] : vector<10000x128xf32> to vector<128xf32>
    %broadcast_in_dim3A_33 = vector.shape_cast %reduce_sum3A_32 : vector<128xf32> to vector<1x128xf32>
    %div3A_34 = arith.constant 1.000000e+04 : f32
    %div3A_35 = vector.broadcast %div3A_34 : f32 to vector<1x128xf32>
    %div3A_36 = arith.divf %broadcast_in_dim3A_33, %div3A_35 : vector<1x128xf32>
    %add3A_37 = arith.constant 9.99999974E-6 : f32
    %add3A_38 = vector.broadcast %add3A_37 : f32 to vector<1x128xf32>
    %add3A_39 = arith.addf %div3A_36, %add3A_38 : vector<1x128xf32>
    %rsqrt3A = math.rsqrt %add3A_39 : vector<1x128xf32>
    %mul3A_40 = vector.broadcast %rsqrt3A : vector<1x128xf32> to vector<10000x128xf32>
    %mul3A_41 = arith.mulf %sub3A_29, %mul3A_40 : vector<10000x128xf32>
    %get3A_42 = arith.constant 0 : index
    %get3A_43 = arith.constant 0 : index
    %get3A_44 = vector.load %arg5[%get3A_42, %get3A_43] : memref<1x128xf32, #tpu.memory_space<vmem>>, vector<1x128xf32>
    %mul3A_45 = vector.broadcast %get3A_44 : vector<1x128xf32> to vector<10000x128xf32>
    %mul3A_46 = arith.mulf %mul3A_41, %mul3A_45 : vector<10000x128xf32>
    %get3A_47 = arith.constant 0 : index
    %get3A_48 = arith.constant 0 : index
    %get3A_49 = vector.load %arg6[%get3A_47, %get3A_48] : memref<1x128xf32, #tpu.memory_space<vmem>>, vector<1x128xf32>
    %add3A_50 = vector.broadcast %get3A_49 : vector<1x128xf32> to vector<10000x128xf32>
    %add3A_51 = arith.addf %mul3A_46, %add3A_50 : vector<10000x128xf32>
    %max3A = arith.constant 0.000000e+00 : f32
    %max3A_52 = vector.broadcast %max3A : f32 to vector<10000x128xf32>
    %max3A_53 = arith.maximumf %add3A_51, %max3A_52 : vector<10000x128xf32>
    %add3A_54 = arith.addf %get3A_1, %max3A_53 : vector<10000x128xf32>
    %get3A_55 = arith.constant 0 : index
    %get3A_56 = arith.constant 0 : index
    %get3A_57 = vector.load %arg7[%get3A_55, %get3A_56] : memref<128x128xf32, #tpu.memory_space<vmem>>, vector<128x128xf32>
    %dot_general3A_58 = arith.constant dense<0.000000e+00> : vector<10000x128xf32>
    %dot_general3A_59 = tpu.matmul %add3A_54, %get3A_57, %dot_general3A_58 {dimension_numbers = #tpu.dot_dimension_numbers<[1], [0], [0], [1], [0, 0, 1, 1], [], []>, transpose_lhs_hint = false} : vector<10000x128xf32>, vector<128x128xf32>, vector<10000x128xf32> -> vector<10000x128xf32>
    %get3A_60 = arith.constant 0 : index
    %get3A_61 = arith.constant 0 : index
    %get3A_62 = vector.load %arg8[%get3A_60, %get3A_61] : memref<1x128xf32, #tpu.memory_space<vmem>>, vector<1x128xf32>
    %add3A_63 = vector.broadcast %get3A_62 : vector<1x128xf32> to vector<10000x128xf32>
    %add3A_64 = arith.addf %dot_general3A_59, %add3A_63 : vector<10000x128xf32>
    %swap3A = arith.constant 0 : index
    %swap3A_65 = arith.constant 0 : index
    %swap3A_66 = vector.load %arg9[%swap3A, %swap3A_65] : memref<10000x128xf32, #tpu.memory_space<vmem>>, vector<10000x128xf32>
    tpu.vector_store %arg9[%swap3A, %swap3A_65], %add3A_64 {strides = array<i32>} : memref<10000x128xf32, #tpu.memory_space<vmem>>, vector<10000x128xf32>,
    %reduce_sum3A_67 = arith.constant dense<0.000000e+00> : vector<128xf32>
    %reduce_sum3A_68 = vector.multi_reduction <add>, %add3A_64, %reduce_sum3A_67 [0] : vector<10000x128xf32> to vector<128xf32>
    %broadcast_in_dim3A_69 = vector.shape_cast %reduce_sum3A_68 : vector<128xf32> to vector<1x128xf32>
    %swap3A_70 = arith.constant 0 : index
    %swap3A_71 = arith.constant 0 : index
    %swap3A_72 = vector.load %arg10[%swap3A_70, %swap3A_71] : memref<1x128xf32, #tpu.memory_space<vmem>>, vector<1x128xf32>
    tpu.vector_store %arg10[%swap3A_70, %swap3A_71], %broadcast_in_dim3A_69 {strides = array<i32>} : memref<1x128xf32, #tpu.memory_space<vmem>>, vector<1x128xf32>,
    return
  }
}

</mosaic_0001>

<sc_bundles>
// kernel: closed_call.12.cloned.1.call-start
scs
__scs_entry_jumppad:
0x0: {  	(pc) =	sbr.rel $0x88, $3  }
0x1: {  	(tag) =	ssettag $0x0;
	lr =	simm.s32 $0x1  }
0x2: {  	[smem:$0x3F95] =	sst lr;
	_ =	strace $0xD0000000  }
0x3: {  	_ = 	snop  }
0x4: {  	_ = 	snop  }
0x5: {  	_ = 	snop  }
0x6: {  	_ = 	snop  }
0x7: {  	_ = 	snop  }
__scs_overlays_trampoline_lowered:
0x8: {  	[smem:$0x3FA4] =	sst s0  }
0x9: {  	[smem:$0x3FA5] =	sst s1  }
0xa: {  	[smem:$0x3FA6] =	sst s2  }
0xb: {  	[smem:$0x3FA7] =	sst s3  }
0xc: {  	[smem:$0x3FA8] =	sst s4  }
0xd: {  	[smem:$0x3FA9] =	sst s5  }
0xe: {  	[smem:$0x3FAA] =	sst s6  }
0xf: {  	[smem:$0x3FAB] =	sst s7  }
0x10: {  	[smem:$0x3FAC] =	sst s8  }
0x11: {  	[smem:$0x3FAD] =	sst s9;
	s0 =	simm.s32 @!p0 $0x0  }
0x12: {  	s1 =	sld [smem:$0x3F93];
	s0 =	simm.s32 @p0 $0x1  }
0x13: {  	[smem:$0x3FAE] =	sst s0;
	s0 =	simm.s32 @!p1 $0x0  }
0x14: {  	s2 =	sld [smem:$0x3F92];
	s0 =	simm.s32 @p1 $0x1  }
0x15: {  	[smem:$0x3FAF] =	sst s0;
	s0 =	simm.s32 @!p2 $0x0  }
0x16: {  	s3 =	sld [smem:$0x3FDB];
	s0 =	simm.s32 @p2 $0x1  }
0x17: {  	s4 =	simm.s32 $0x1BF5;
	[smem:$0x3FB1] =	sst s0  }
0x18: {  	s0 =	sld [smem:$0x3F94];
	_ =	swait.ge [sflag:s4], $0x0  }
0x19: {  	s7 =	sld [smem:$0x3F95]  }
0x1a: {  	s8 =	sadd.s32 $0xFFFFE003, lr  }
0x1b: {  	s9 =	sadd.s32 $0xFFFFFEF7, lr;
	s5 =	simm.s32 $0xFFFFFFFF;
	p2 =	slt.u32 s8, $0xFFFFF086  }
0x1c: {  	p1 =	slt.u32 s9, $0xF7A;
	s5 =	simm.s32 @!p2 $0x0  }
0x1d: {  	s5 =	simm.s32 @p1 $0x1;
	p0 =	seq.s32 s7, s2  }
0x1e: {  	s7 =	smul.u32 @!p0 $0xF7A, s2;
	p2 =	seq.s32 @!p0 s5, $0x0  }
0x1f: {  	s9 =	smul.u32 $0xF7A, s1;
	s8 =	simm.s32 @!p0 $0x1BF5;
	p2 =	por !p2, p0  }
0x20: {  	[sflag:s8] =	ssyncset.s32 @!p0 $0xFFFFF086;
	s6 =	sadd.s32 @!p0 s3, s7;
	s7 =	simm.s32 @!p0 $0x108  }
0x21: {  	s3 =	sadd.s32 s3, s9;
	s6 =	sadd.s32 @!p0 $0x88, s6;
	s7 =	simm.s32 @p2 $0x1082  }
0x22: {  	[simem:s7], [sflag:s8] =	dma.local @!p0 [hbm:s6], $0xF7A  }
0x23: {  	s9 =	sor.u32 $0xD0000000, s2;
	s6 =	simm.s32 $0x108;
	_ =	swait.ge @!p0 [sflag:s8], $0x0  }
0x24: {  	s3 =	sadd.s32 $0x88, s3;
	s6 =	simm.s32 @!p1 $0x1082;
	[sflag:s4] =	ssyncset.s32 $0xFFFFF086  }
0x25: {  	[simem:s6], [sflag:s4] =	dma.local [hbm:s3], $0xF7A  }
0x26: {  	[smem:$0x3F95] =	sst s1;
	(tag) =	ssettag s2;
	_ =	strace s9  }
0x27: {  	s1 =	sld [smem:$0x3FA5]  }
0x28: {  	s2 =	sld [smem:$0x3FA6]  }
0x29: {  	s4 =	sld [smem:$0x3FA8]  }
0x2a: {  	p0 =	seq.s32 s5, $0x0;
	s5 =	sld [smem:$0x3FA9]  }
0x2b: {  	s6 =	sld [smem:$0x3FAA]  }
0x2c: {  	s7 =	sld [smem:$0x3FAB]  }
0x2d: {  	s3 =	simm.s32 $0x108;
	s8 =	sld [smem:$0x3FAC]  }
0x2e: {  	s3 =	simm.s32 @!p0 $0x1082;
	s9 =	sld [smem:$0x3FAD]  }
0x2f: {  	lr =	sadd.s32 s0, s3;
	s0 =	sld [smem:$0x3FA4]  }
0x30: {  	s3 =	sld [smem:$0x3FA7]  }
0x31: {  	[smem:$0x3FB0] =	sst s10  }
0x32: {  	s10 =	sld [smem:$0x3FAE];
	_ =	sdelay $0x3  }
0x33: {  	p0 =	seq.s32 s10, $0x1;
	s10 =	sld [smem:$0x3FB0];
	_ =	sdelay $0x3  }
0x34: {  	[smem:$0x3FB0] =	sst s10  }
0x35: {  	s10 =	sld [smem:$0x3FAF];
	_ =	sdelay $0x3  }
0x36: {  	p1 =	seq.s32 s10, $0x1;
	s10 =	sld [smem:$0x3FB0];
	_ =	sdelay $0x3  }
0x37: {  	[smem:$0x3FB0] =	sst s10  }
0x38: {  	s10 =	sld [smem:$0x3FB1]  }
0x39: {  	_ = 	snop;
	(pc) =	sbr.ind lr, $3  }
0x3a: {  	_ = 	snop  }
0x3b: {  	_ = 	snop  }
0x3c: {  	p2 =	seq.s32 s10, $0x1;
	s10 =	sld [smem:$0x3FB0]  }
0x3d: {  	_ =	shalt  }
0x3e: {  	_ =	shalt  }
0x3f: {  	_ =	shalt  }
0x40: {  	_ =	shalt  }
0x41: {  	_ =	shalt  }
0x42: {  	_ =	shalt  }
0x43: {  	_ =	shalt  }
0x44: {  	_ =	shalt  }
0x45: {  	_ =	shalt  }
0x46: {  	_ =	shalt  }
0x47: {  	_ =	shalt  }
0x48: {  	_ =	shalt  }
0x49: {  	_ =	shalt  }
0x4a: {  	_ =	shalt  }
0x4b: {  	_ =	shalt  }
0x4c: {  	_ =	shalt  }
0x4d: {  	_ =	shalt  }
0x4e: {  	_ =	shalt  }
0x4f: {  	_ =	shalt  }
0x50: {  	_ =	shalt  }
0x51: {  	_ =	shalt  }
0x52: {  	_ =	shalt  }
0x53: {  	_ =	shalt  }
0x54: {  	_ =	shalt  }
0x55: {  	_ =	shalt  }
0x56: {  	_ =	shalt  }
0x57: {  	_ =	shalt  }
0x58: {  	_ =	shalt  }
0x59: {  	_ =	shalt  }
0x5a: {  	_ =	shalt  }
0x5b: {  	_ =	shalt  }
0x5c: {  	_ =	shalt  }
0x5d: {  	_ =	shalt  }
0x5e: {  	_ =	shalt  }
0x5f: {  	_ =	shalt  }
0x60: {  	_ =	shalt  }
0x61: {  	_ =	shalt  }
0x62: {  	_ =	shalt  }
0x63: {  	_ =	shalt  }
0x64: {  	_ =	shalt  }
0x65: {  	_ =	shalt  }
0x66: {  	_ =	shalt  }
0x67: {  	_ =	shalt  }
0x68: {  	_ =	shalt  }
0x69: {  	_ =	shalt  }
0x6a: {  	_ =	shalt  }
0x6b: {  	_ =	shalt  }
0x6c: {  	_ =	shalt  }
0x6d: {  	_ =	shalt  }
0x6e: {  	_ =	shalt  }
0x6f: {  	_ =	shalt  }
0x70: {  	_ =	shalt  }
0x71: {  	_ =	shalt  }
0x72: {  	_ =	shalt  }
0x73: {  	_ =	shalt  }
0x74: {  	_ =	shalt  }
0x75: {  	_ =	shalt  }
0x76: {  	_ =	shalt  }
0x77: {  	_ =	shalt  }
0x78: {  	_ =	shalt  }
0x79: {  	_ =	shalt  }
0x7a: {  	_ =	shalt  }
0x7b: {  	_ =	shalt  }
0x7c: {  	_ =	shalt  }
0x7d: {  	_ =	shalt  }
0x7e: {  	_ =	shalt  }
0x7f: {  	_ =	shalt  }
0x80: {  	_ =	shalt  }
0x81: {  	_ =	shalt  }
0x82: {  	_ =	shalt  }
0x83: {  	_ =	shalt  }
0x84: {  	_ =	shalt  }
0x85: {  	_ =	shalt  }
0x86: {  	_ =	shalt  }
0x87: {  	_ =	shalt  }
.Lfunc_end0:
.L_simem_size_0:
called_computation_lowered:
.L_overlay_start_0:
0x88: {  	s2 =	sld [smem:$0x3FD9]  }
0x89: {  	s3 =	sld [smem:$0x3FFE];
	_ =	sdelay $0x1  }
0x8a: {  	s1 =	srdreg.scid  }
0x8b: {  	s0 =	sand.u32 $0x1, s1  }
0x8c: {  	s16 =	sshll.u32 s0, $0xA;
	s2 =	sadd.s32 s3, s2  }
0x8d: {  	s2 =	sadd.s32 s2, s16  }
0x8e: {  	[smem:$0x3FBC] =	sst s2  }
0x8f: {  	_ = 	snop  }
0x90: {  	(tm) =	ssettm $0x1  }
0x91: {  	s17 =	sld [smem:$0x3FFB];
	_ =	sdelay $0x3  }
0x92: {  	_ =	strace s17  }
0x93: {  	s2 =	sld [smem:$0x3FFC];
	_ =	sdelay $0x3  }
0x94: {  	_ =	strace s2  }
0x95: {  	s2 =	sld [smem:$0x3FFD];
	_ =	sdelay $0x3  }
0x96: {  	_ =	strace s2  }
0x97: {  	_ =	strace $0x8FFFFFFF  }
0x98: {  	s18 =	sld [smem:$0x3FDB];
	_ =	sdelay $0x1  }
0x99: {  	s19 =	simm.s32 $_scs_section_size  }
0x9a: {  	s4 =	simm.s32 $_size__tile_overlayer_lowered;
	s5 =	simm.s32 $_tile_overlayer_lowered  }
0x9b: {  	s22 =	simm.s32 $0x1BFF;
	s21 =	sshll.u32 s5, $0x1;
	s2 =	sadd.s32 s19, s18  }
0x9c: {  	s6 =	simm.s32 $0x0;
	s20 =	sshll.u32 s4, $0x1;
	s4 =	sadd.s32 s21, s2  }
0x9d: {  	[timem:s6], [sflag:s22] =	dma.local [hbm:s4], s20  }
0x9e: {  	_ =	swait.ge [sflag:s22], s20  }
0x9f: {  	s3 =	ssub.s32 $0x0, s20;
	[sflag:s22] =	ssyncset.done $0x0  }
0xa0: {  	[sflag:s22] =	ssyncadd.s32 s3;
	_ =	sdelay $0x1  }
0xa1: {  	s23 =	simm.s32 $0x1B8B  }
0xa2: {  	_ =	swait.ge [sflag:s23], $0x1  }
0xa3: {  	[sflag:s23] =	ssyncset.done $0x0  }
0xa4: {  	s25 =	simm.s32 $0x1B8E;
	s24 =	sld [smem:$0x3FFE];
	[sflag:s23] =	ssyncadd.s32 $0xFFFFFFFF  }
0xa5: {  	s26 =	simm.s32 $execute0_lowered;
	[smem:$0x3FD2] =	sst s25  }
0xa6: {  	s4 =	sshll.u32 s26, $0x1;
	_ =	strace $0x80000046;
	[dreg:$0x1] =	wrdreg $0xFFFFFFFF  }
0xa7: {  	s28 =	simm.s32 $_size_execute0_lowered;
	s2 =	sadd.s32 s2, s4;
	[dreg:$0x0] =	wrdreg $0x0  }
0xa8: {  	s4 =	sshll.u32 s28, $0x1;
	[dreg:$0x2] =	wrdreg s2  }
0xa9: {  	[dreg:$0x3] =	wrdreg s4  }
0xaa: {  	[dreg:$0x4] =	wrdreg $0xC0  }
0xab: {  	_ =	task [dreg:s6], $0x5FFFF  }
0xac: {  	[dreg:$0x1] =	wrdreg $0xFFFFFFFF  }
0xad: {  	[dreg:$0x0] =	wrdreg $0x60  }
0xae: {  	[dreg:$0x2] =	wrdreg s24  }
0xaf: {  	[dreg:$0x3] =	wrdreg $0x150000  }
0xb0: {  	[dreg:$0x4] =	wrdreg $0x9  }
0xb1: {  	_ =	task.clear_ibuf [dreg:s6], $0x5FFFF;
	_ =	strace $0x90000046  }
0xb2: {  	s29 =	simm.s32 $0x9;
	_ =	strace $0x80000048  }
0xb3: {  	_ =	swait.ge [sflag:s29], $0x1  }
0xb4: {  	[sflag:s29] =	ssyncadd.s32 $0xFFFFFFFF  }
0xb5: {  	_ =	strace $0x90000048  }
0xb6: {  	_ =	sfence  }
0xb7: {  	s30 =	sld [smem:$0x0];
	_ =	sdelay $0x2  }
0xb8: {  	s31 =	sshll.u32 s1, $0xD;
	s1 =	sshrl.u32 s1, $0x2  }
0xb9: {  	s3 =	sand.u32 $0x4000, s31;
	s1 =	sadd.s32 s1, s30  }
0xba: {  	s0 =	sor.u32 s3, s0;
	s1 =	sshll.u32 s1, $0x11  }
0xbb: {  	s0 =	sor.u32 s1, s0  }
0xbc: {  	s0 =	sadd.s32 $0x8F2B, s0  }
0xbd: {  	[sflag:s0] =	ssyncadd.remote.s32 $0x1  }
0xbe: {  	_ =	sfence.sel $0xFFFF  }
0xbf: {  	[dreg:$0x0] =	wrdreg $0xFFFFFFFF;
	(pc) =	sbr.abs _section_cstart, $3  }
0xc0: {  	[dreg:$0x1] =	wrdreg $0xFFFFFFFF  }
0xc1: {  	_ =	task.clear_ibuf [dreg:s6], $0x2FFFF;
	_ =	strace $0x9FFFFFFF  }
0xc2: {  	(tm) =	ssettm $0x7FFFFFFF  }
0xc3: {  	_ =	shalt  }
tec
execute0_lowered:
.L_overlay_start_1:
0x0: {  	(tag) =	ssettag $0x1  }
0x1: {  	s8 =	rddreg [dreg:$0x0]  }
0x2: {  	s1 =	rddreg [dreg:$0x1]  }
0x3: {  	s2 =	srdreg.scid;
	s0 =	rddreg [dreg:$0x2];
	s3 =	simm.s32 $0x0  }
0x4: {  	s14 =	simm.s32 $0x3;
	s15 =	simm.s32 $0x8000;
	s16 =	simm.s32 $0x50  }
0x5: {  	s17 =	simm.s32 $0x80;
	s18 =	simm.s32 $0x12800;
	s19 =	simm.s32 $0x1  }
0x6: {  	s20 =	simm.s32 $0x2;
	s5 =	sand.u32 $0x1, s2;
	s2 =	stileid.u32  }
0x7: {  	[smem:$0x7FF] =	sst s3;
	s4 =	sadd.s32 $0x20000, s8;
	s6 =	smul.u32 $0x14800, s5  }
0x8: {  	s7 =	ssub.s32 $0x2, s5;
	s9 =	smul.u32 $0x29000, s2;
	_ =	strace $0x80000047  }
0x9: {  	s21 =	smul.u32 $0x1400, s5;
	s31 =	sshll.u32 s2, $0xC;
	s22 =	sor.u32 $0x1400, s2  }
0xa: {  	s24 =	smul.u32 $0x1480, s2;
	s10 =	sshrl.u32 s7, $0x1;
	v1 =	vmov s22;
	s22 =	simm.s32 $0xFC80  }
0xb: {  	s12 =	sadd.s32 s6, s8;
	s13 =	ssub.s32 s7, s10;
	s30 =	sshrl.u32 s9, $0x2  }
0xc: {  	s8 =	sadd.s32 s8, s31;
	v0 =	vmov s21;
	s21 =	simm.s32 $0xFC00;
	s5 =	sadd.s32 s30, s1  }
0xd: {  	s11 =	sadd.s32 $0x10000, s8;
	s23 =	sadd.s32 $0x47200, s12;
	s12 =	smax.u32 s13, $0x1  }
0xe: {  	s13 =	simm.s32 $0x10000;
	s6 =	sadd.s32 $0x2800, s5;
	s7 =	sadd.s32 $0x5000, s5  }
0xf: {  	v2 =	vimm.f32 $0.0e+00;
	s9 =	sadd.s32 $0x7800, s5;
	s10 =	sadd.s32 $0xA000, s5;
	s23 =	sadd.s32 s24, s23  }
.LBB2_1:
0x10: {  	s24 =	simm.s32 $0x0;
	s25 =	simm.s32 $0x200  }
.LBB2_2:
0x11: {  	p0 =	sne.s32 s25, $0x9E00;
	[tilespmem:s24+$0x10070] =	vst v2  }
0x12: {  	[tilespmem:s24+$0x10000] =	vst v2  }
0x13: {  	[tilespmem:s24+$0x10010] =	vst v2  }
.Ltmp0:
0x14: {  	[tilespmem:s24+$0x10020] =	vst v2;
	(pc) =	sbr.rel @p0 .LBB2_2-.Ltmp0, $4  }
0x15: {  	[tilespmem:s24+$0x10030] =	vst v2  }
0x16: {  	[tilespmem:s24+$0x10040] =	vst v2  }
0x17: {  	[tilespmem:s24+$0x10050] =	vst v2  }
0x18: {  	[tilespmem:s24+$0x10060] =	vst v2;
	s24 =	sshra.s32 s25, $0x2;
	s25 =	sadd.s32 $0x200, s25  }
0x19: {  	[tilespmem:s24+$0x10070] =	vst v2  }
0x1a: {  	[tilespmem:s24+$0x10000] =	vst v2  }
0x1b: {  	[tilespmem:s24+$0x10010] =	vst v2  }
0x1c: {  	[tilespmem:s24+$0x10020] =	vst v2  }
0x1d: {  	[tilespmem:s24+$0x10030] =	vst v2  }
0x1e: {  	[tilespmem:s24+$0x10040] =	vst v2  }
0x1f: {  	[tilespmem:s24+$0x10050] =	vst v2  }
0x20: {  	[tilespmem:s24+$0x10060] =	vst v2  }
0x21: {  	[spmem:s5] =	stream.linear.scatter [tilespmem:s13], [sflag:$0x3], $0x2800, $0x38;
	[tilespmem:$0x1F400] =	vst v63  }
0x22: {  	_ =	swait.ge [sflag:s14], $0x2800  }
0x23: {  	[sflag:s14] =	ssyncset.done $0x0  }
0x24: {  	[sflag:s14] =	ssyncadd.s32 $0xFFFFD800  }
0x25: {  	[spmem:s6] =	stream.linear.scatter [tilespmem:s13], [sflag:$0x3], $0x2800, $0x38;
	[tilespmem:$0x1F400] =	vst v63  }
0x26: {  	_ =	swait.ge [sflag:s14], $0x2800  }
0x27: {  	[sflag:s14] =	ssyncset.done $0x0  }
0x28: {  	[sflag:s14] =	ssyncadd.s32 $0xFFFFD800  }
0x29: {  	[spmem:s7] =	stream.linear.scatter [tilespmem:s13], [sflag:$0x3], $0x2800, $0x38;
	[tilespmem:$0x1F400] =	vst v63  }
0x2a: {  	_ =	swait.ge [sflag:s14], $0x2800  }
0x2b: {  	[sflag:s14] =	ssyncset.done $0x0  }
0x2c: {  	[sflag:s14] =	ssyncadd.s32 $0xFFFFD800  }
0x2d: {  	[spmem:s9] =	stream.linear.scatter [tilespmem:s13], [sflag:$0x3], $0x2800, $0x38;
	[tilespmem:$0x1F400] =	vst v63  }
0x2e: {  	_ =	swait.ge [sflag:s14], $0x2800  }
0x2f: {  	[sflag:s14] =	ssyncset.done $0x0  }
0x30: {  	[sflag:s14] =	ssyncadd.s32 $0xFFFFD800  }
0x31: {  	[spmem:s10] =	stream.linear.scatter [tilespmem:s13], [sflag:$0x3], $0x400, $0x38;
	[tilespmem:$0x1F400] =	vst v63  }
0x32: {  	_ =	swait.ge [sflag:s14], $0x400  }
0x33: {  	[sflag:s14] =	ssyncset.done $0x0  }
0x34: {  	s31 =	simm.s32 $0x0;
	[sflag:s14] =	ssyncadd.s32 $0xFFFFFC00  }
0x35: {  	[tilespmem:s31], [sflag:$0x3] =	stream.linear.gather [hbm4b:s8+s31], $0x7D00, $0x38;
	[tilespmem:$0x1F400] =	vst v63  }
0x36: {  	_ =	swait.ge [sflag:s14], $0x7D00  }
0x37: {  	[sflag:s14] =	ssyncset.done $0x0  }
0x38: {  	[sflag:s14] =	ssyncadd.s32 $0xFFFF8300  }
0x39: {  	[tilespmem:s15], [sflag:$0x3] =	stream.linear.gather [hbm4b:s11+s31], $0x7D00, $0x38;
	[tilespmem:$0x1F400] =	vst v63  }
0x3a: {  	_ =	swait.ge [sflag:s14], $0x7D00  }
0x3b: {  	[sflag:s14] =	ssyncset.done $0x0  }
0x3c: {  	s24 =	simm.s32 $0x0;
	[sflag:s14] =	ssyncadd.s32 $0xFFFF8300  }
0x3d: {  	v4 =	vld [tilespmem:s24+$0x8000]  }
0x3e: {  	v6 =	vld [tilespmem:s24+$0x8010]  }
0x3f: {  	v5 =	vld [tilespmem:s24+$0x8020]  }
0x40: {  	s25 =	simm.s32 $0x200;
	v3 =	vld [tilespmem:s24+$0x8030]  }
.LBB2_4:
0x41: {  	p0 =	sne.s32 s25, $0x1F200;
	v7 =	vld [tilespmem:s24+$0x8040]  }
0x42: {  	v4 =	vsub.s32 v4, v0  }
0x43: {  	vm0 =	vlt.u32 v4, $0x1400;
	v6 =	vsub.s32 v6, v0  }
0x44: {  	v4 =	vsel vm0, v4, v1;
	vm0 =	vlt.u32 v6, $0x1400;
	v5 =	vsub.s32 v5, v0  }
.Ltmp1:
0x45: {  	s26 =	sshra.s32 s25, $0x2;
	[tilespmem:s24+$0x8000] =	vst v4;
	v6 =	vsel vm0, v6, v1;
	vm0 =	vlt.u32 v5, $0x1400;
	v3 =	vsub.s32 v3, v0;
	(pc) =	sbr.rel @p0 .LBB2_4-.Ltmp1, $4  }
0x46: {  	v4 =	vld [tilespmem:s26+$0x8000];
	[tilespmem:s24+$0x8010] =	vst v6;
	v5 =	vsel vm0, v5, v1;
	vm0 =	vlt.u32 v3, $0x1400;
	v7 =	vsub.s32 v7, v0  }
0x47: {  	v6 =	vld [tilespmem:s26+$0x8010];
	[tilespmem:s24+$0x8020] =	vst v5;
	v3 =	vsel vm0, v3, v1;
	vm0 =	vlt.u32 v7, $0x1400  }
0x48: {  	v5 =	vld [tilespmem:s26+$0x8020];
	[tilespmem:s24+$0x8030] =	vst v3;
	v7 =	vsel vm0, v7, v1  }
0x49: {  	s25 =	sadd.s32 $0x200, s25;
	v3 =	vld [tilespmem:s26+$0x8030];
	[tilespmem:s24+$0x8040] =	vst v7;
	s24 =	smov.u32 s26  }
0x4a: {  	v7 =	vld [tilespmem:s24+$0x8040]  }
0x4b: {  	v4 =	vsub.s32 v4, v0  }
0x4c: {  	vm0 =	vlt.u32 v4, $0x1400;
	v6 =	vsub.s32 v6, v0  }
0x4d: {  	v4 =	vsel vm0, v4, v1;
	vm12 =	vlt.u32 v6, $0x1400;
	v5 =	vsub.s32 v5, v0  }
0x4e: {  	[tilespmem:s24+$0x8000] =	vst v4;
	v61 =	vsel vm12, v6, v1;
	vm13 =	vlt.u32 v5, $0x1400;
	v3 =	vsub.s32 v3, v0  }
0x4f: {  	[tilespmem:s24+$0x8010] =	vst v61;
	v62 =	vsel vm13, v5, v1;
	vm14 =	vlt.u32 v3, $0x1400;
	v63 =	vsub.s32 v7, v0  }
0x50: {  	[tilespmem:s24+$0x8020] =	vst v62;
	v3 =	vsel vm14, v3, v1;
	vm15 =	vlt.u32 v63, $0x1400  }
0x51: {  	[tilespmem:s24+$0x8030] =	vst v3;
	v3 =	vsel vm15, v63, v1  }
0x52: {  	[tilespmem:s24+$0x8040] =	vst v3  }
0x53: {  	s28 =	simm.s32 $0x0;
	[bflag:$0x0] =	sbarrier.arrive $0xFFFF  }
0x54: {  	[tilespmem:s13], [sflag:$0x1] =	stream.indirect.gather [hbm4b:s4+s16], $0x80, s28, s16, $0xb8;
	[tilespmem:$0x1F400] =	vst v63  }
0x55: {  	_ = 	snop  }
0x56: {  	[tilespmem:s18], [sflag:$0x2] =	stream.indirect.gather [hbm4b:s4+s16], $0x80, s17, s16, $0xb8;
	[tilespmem:$0x1F400] =	vst v63  }
0x57: {  	_ =	swait.ge [sflag:s19], $0x2800  }
0x58: {  	[sflag:s19] =	ssyncset.done $0x0  }
0x59: {  	s29 =	simm.s32 $0x8000;
	[sflag:s19] =	ssyncadd.s32 $0xFFFFD800  }
0x5a: {  	[spmem:s1] =	stream.indirect.scatter.add.f32 [tilespmem:s13], [sflag:$0x3], $0x80, s29, s16, $0xb8;
	[tilespmem:$0x1F400] =	vst v63  }
0x5b: {  	_ =	swait.ge [sflag:s14], $0x2800  }
0x5c: {  	[sflag:s14] =	ssyncset.done $0x0  }
0x5d: {  	s30 =	simm.s32 $0x100;
	[sflag:s14] =	ssyncadd.s32 $0xFFFFD800  }
0x5e: {  	[tilespmem:s13], [sflag:$0x1] =	stream.indirect.gather [hbm4b:s4+s16], $0x80, s30, s16, $0xb8;
	[tilespmem:$0x1F400] =	vst v63  }
0x5f: {  	_ =	swait.ge [sflag:s20], $0x2800  }
0x60: {  	[sflag:s20] =	ssyncset.done $0x0  }
0x61: {  	s31 =	simm.s32 $0x8080;
	[sflag:s20] =	ssyncadd.s32 $0xFFFFD800  }
0x62: {  	[spmem:s1] =	stream.indirect.scatter.add.f32 [tilespmem:s18], [sflag:$0x3], $0x80, s31, s16, $0xb8;
	[tilespmem:$0x1F400] =	vst v63  }
0x63: {  	_ =	swait.ge [sflag:s14], $0x2800  }
0x64: {  	[sflag:s14] =	ssyncset.done $0x0  }
0x65: {  	s25 =	simm.s32 $0x180;
	s24 =	simm.s32 $0x400;
	[sflag:s14] =	ssyncadd.s32 $0xFFFFD800  }
.LBB2_6:
0x66: {  	[tilespmem:s18], [sflag:$0x2] =	stream.indirect.gather [hbm4b:s4+s16], $0x80, s25, s16, $0xb8;
	[tilespmem:$0x1F400] =	vst v63  }
0x67: {  	s25 =	smov.u32 s24  }
0x68: {  	p0 =	sne.s32 s24, $0x1EC00;
	s24 =	sadd.s32 $0x400, s24;
	_ =	swait.ge [sflag:s19], $0x2800  }
0x69: {  	s25 =	sshra.s32 s25, $0x2;
	[sflag:s19] =	ssyncset.done $0x0  }
0x6a: {  	s26 =	sadd.s32 $0x8000, s25;
	[sflag:s19] =	ssyncadd.s32 $0xFFFFD800  }
0x6b: {  	[spmem:s1] =	stream.indirect.scatter.add.f32 [tilespmem:s13], [sflag:$0x3], $0x80, s26, s16, $0xb8;
	[tilespmem:$0x1F400] =	vst v63  }
0x6c: {  	_ =	swait.ge [sflag:s14], $0x2800  }
0x6d: {  	[sflag:s14] =	ssyncset.done $0x0  }
0x6e: {  	s26 =	sadd.s32 $0x100, s25;
	[sflag:s14] =	ssyncadd.s32 $0xFFFFD800  }
0x6f: {  	[tilespmem:s13], [sflag:$0x1] =	stream.indirect.gather [hbm4b:s4+s16], $0x80, s26, s16, $0xb8;
	[tilespmem:$0x1F400] =	vst v63  }
0x70: {  	_ =	swait.ge [sflag:s20], $0x2800  }
0x71: {  	[sflag:s20] =	ssyncset.done $0x0  }
.Ltmp2:
0x72: {  	s26 =	sadd.s32 $0x8080, s25;
	[sflag:s20] =	ssyncadd.s32 $0xFFFFD800;
	(pc) =	sbr.rel @p0 .LBB2_6-.Ltmp2, $4  }
0x73: {  	[spmem:s1] =	stream.indirect.scatter.add.f32 [tilespmem:s18], [sflag:$0x3], $0x80, s26, s16, $0xb8;
	[tilespmem:$0x1F400] =	vst v63  }
0x74: {  	_ =	swait.ge [sflag:s14], $0x2800  }
0x75: {  	[sflag:s14] =	ssyncset.done $0x0  }
0x76: {  	s25 =	sadd.s32 $0x180, s25;
	[sflag:s14] =	ssyncadd.s32 $0xFFFFD800  }
0x77: {  	[tilespmem:s18], [sflag:$0x2] =	stream.indirect.gather [hbm4b:s4+s16], $0x80, s25, s16, $0xb8;
	[tilespmem:$0x1F400] =	vst v63  }
0x78: {  	_ =	swait.ge [sflag:s19], $0x2800  }
0x79: {  	[sflag:s19] =	ssyncset.done $0x0  }
0x7a: {  	[sflag:s19] =	ssyncadd.s32 $0xFFFFD800  }
0x7b: {  	[spmem:s1] =	stream.indirect.scatter.add.f32 [tilespmem:s13], [sflag:$0x3], $0x80, s21, s16, $0xb8;
	[tilespmem:$0x1F400] =	vst v63  }
0x7c: {  	_ =	swait.ge [sflag:s14], $0x2800  }
0x7d: {  	[sflag:s14] =	ssyncset.done $0x0  }
0x7e: {  	[sflag:s14] =	ssyncadd.s32 $0xFFFFD800  }
0x7f: {  	_ =	swait.ge [sflag:s20], $0x2800  }
0x80: {  	[sflag:s20] =	ssyncset.done $0x0  }
0x81: {  	[sflag:s20] =	ssyncadd.s32 $0xFFFFD800  }
0x82: {  	[spmem:s1] =	stream.indirect.scatter.add.f32 [tilespmem:s18], [sflag:$0x3], $0x80, s22, s16, $0xb8;
	[tilespmem:$0x1F400] =	vst v63  }
0x83: {  	_ =	swait.ge [sflag:s14], $0x2800  }
0x84: {  	s24 =	sshll.u32 s2, $0x6;
	s3 =	sadd.s32 $0x1, s3;
	[sflag:s14] =	ssyncset.done $0x0  }
0x85: {  	s31 =	sshrl.u32 s5, $0x3;
	p0 =	sne.s32 s3, s12;
	[sflag:s14] =	ssyncadd.s32 $0xFFFFD800  }
.Ltmp3:
0x86: {  	s24 =	sor.u32 $0x1C03, s24;
	[bflag:$0x0] =	sbarrier.arrive $0xFFFF;
	(pc) =	sbr.rel @p0 .LBB2_1-.Ltmp3, $4  }
0x87: {  	[hbm:s23], [sflag:s24] =	dma.local [spmem:s31], $0x1480  }
0x88: {  	_ =	swait.ge [sflag:s14], $0x1480  }
0x89: {  	[sflag:s14] =	ssyncset.done $0x0  }
0x8a: {  	[sflag:s14] =	ssyncadd.s32 $0xFFFFEB80  }
0x8b: {  	_ =	sfence.sel $0x180000  }
0x8c: {  	[bflag:$0x0] =	sbarrier.arrive $0xFFFF  }
0x8d: {  	p0 =	sne.s32 s2, $0x0;
	_ =	strace $0x90000047  }
0x8e: {  	s0 =	sadd.s32 @!p0 $0x100000, s0;
	[bflag:$0x2] =	sbarrier.arrive $0xFFFF  }
0x8f: {  	[sflag:s0] =	ssyncadd.tile.s32 @!p0 $0x1;
	_ =	shalt  }
.Lfunc_end2:
_tile_overlayer_lowered:
.L_overlay_start_2:
0x90: {  	(tag) =	ssettag $0x2  }
0x91: {  	s0 =	rddreg [dreg:$0x0];
	s2 =	stileid.u32  }
0x92: {  	s1 =	rddreg [dreg:$0x1];
	p0 =	sne.s32 s2, $0x0  }
0x93: {  	s3 =	rddreg [dreg:$0x2];
	[bflag:$0x3] =	sbarrier.arrive $0xFFFF;
	s2 =	simm.s32 @!p0 $0x1C03  }
0x94: {  	[timem:s3], [sflag:s2] =	dma.local @!p0 [hbm:s0], s1  }
0x95: {  	s0 =	simm.s32 @!p0 $0x3  }
0x96: {  	_ =	swait.ge @!p0 [sflag:s0], s1  }
0x97: {  	s1 =	ssub.s32 @!p0 $0x0, s1;
	[sflag:s0] =	ssyncset.done @!p0 $0x0  }
0x98: {  	[sflag:s0] =	ssyncadd.s32 @!p0 s1  }
0x99: {  	[bflag:$0x3] =	sbarrier.arrive $0xFFFF  }
0x9a: {  	_ =	shalt  }

</sc_bundles>
